<compile_context>
chip_gen: v7x
topology: tpu7x:2x2x1
jax: 0.10.2.dev20260603
libtpu: 0.0.44.dev20260713+nightly
codegen_flags: <defaults>
</compile_context>

<pallas_src>
import functools

import jax
import jax.numpy as jnp
from jax import lax
from jax.experimental import pallas as pl
from jax.experimental.pallas import tpu as pltpu
from jax.experimental.pallas import tpu_sc as plsc

NC = 2
NS = 16
NW = NC * NS

B_ROWS = 4096 * 26
D = 64
DP = 128
B_PER_W = B_ROWS // NW
CHUNK = 128
N_CHUNKS = B_PER_W // CHUNK

_mesh = plsc.VectorSubcoreMesh(core_axis_name="c", subcore_axis_name="s")


@functools.partial(
    pl.kernel,
    mesh=_mesh,
    out_type=jax.ShapeDtypeStruct((B_ROWS, DP), jnp.float32),
    scratch_types=[
        pltpu.VMEM((N_CHUNKS, CHUNK), jnp.int32),
    ]
    + [pltpu.VMEM((CHUNK, DP), jnp.float32) for _ in range(4)]
    + [pltpu.SemaphoreType.DMA for _ in range(8)],
)
def _gather_sc(table_hbm, idx_hbm, out_hbm, idx_v, *scratch):
    NBUF = 4
    W_LAG = 2
    rows = scratch[:NBUF]
    gsem = scratch[NBUF:2 * NBUF]
    wsem = scratch[2 * NBUF:3 * NBUF]

    wid = lax.axis_index("s") * NC + lax.axis_index("c")
    base = wid * B_PER_W
    pltpu.sync_copy(idx_hbm.at[wid], idx_v)

    def start_gather(j, b):
        return pltpu.async_copy(table_hbm.at[idx_v.at[j]], rows[b], gsem[b])

    def start_write(j, b):
        return pltpu.async_copy(
            rows[b],
            out_hbm.at[pl.ds(base + j * CHUNK, CHUNK)],
            wsem[b],
        )

    gathers = {}
    writes = {}
    for b in range(NBUF):
        gathers[b] = start_gather(b, b)
    for j in range(N_CHUNKS):
        b = j % NBUF
        gathers[b].wait()
        writes[b] = start_write(j, b)
        k = j - W_LAG
        nk = k + NBUF
        if k >= 0 and nk < N_CHUNKS:
            kb = k % NBUF
            writes[kb].wait()
            gathers[kb] = start_gather(nk, kb)
    for j in range(min(N_CHUNKS - W_LAG, N_CHUNKS - NBUF), N_CHUNKS):
        writes[j % NBUF].wait()


def kernel(input_tensor, indices):
    table_padded = jnp.pad(input_tensor, ((0, 0), (0, DP - D)))
    idx = indices.reshape(NW, N_CHUNKS, CHUNK).astype(jnp.int32)
    out = _gather_sc(table_padded, idx)
    return out[:, :D].reshape(indices.shape[0], indices.shape[1], D)

# --- scband reference (transcript-rebuilt; emitter-appended) ---
"""Pipeline reference for scband-onnx-gather-43087111914005 (READ-ONLY COPY).

The authoritative reference and input builder live on the scoring server;
editing this copy changes nothing except your own understanding.
"""

import jax, jax.numpy as jnp
import numpy as np

def setup_inputs(seed: int = 0) -> dict:
    key = jax.random.key(seed)
    k1, k2 = jax.random.split(key)
    input_tensor = jax.random.normal(k1, (1000000, 64), dtype=jnp.float32)
    indices = jax.random.randint(k2, (4096, 26), 0, 1000000, dtype=jnp.int64)
    return {"input_tensor": input_tensor, "indices": indices}

def reference(input_tensor, indices):
    # OnnxGather with axis=0: equivalent to input_tensor[indices]
    return jnp.take(input_tensor, indices, axis=0)

if __name__ == "__main__":
    import jax
    _d = setup_inputs()
    print(jax.jit(kernel)(*tuple(_d.values())))

</pallas_src>

<mosaic_0001>
#map = affine_map<(d0, d1) -> (0, 0)>
#map1 = affine_map<(d0, d1) -> (0, 0, 0)>
module attributes {stable_mosaic.version = 14 : i64} {
  func.func @_gather_sc(%arg0: i32, %arg1: i32, %arg2: memref<1000000x128xf32, #tpu.memory_space<hbm>>, %arg3: memref<32x26x128xi32, #tpu.memory_space<hbm>>, %arg4: memref<106496x128xf32, #tpu.memory_space<hbm>>, %arg5: memref<26x128xi32, #tpu.memory_space<vmem>>, %arg6: memref<128x128xf32, #tpu.memory_space<vmem>>, %arg7: memref<128x128xf32, #tpu.memory_space<vmem>>, %arg8: memref<128x128xf32, #tpu.memory_space<vmem>>, %arg9: memref<128x128xf32, #tpu.memory_space<vmem>>, %arg10: memref<!tpu.dma_semaphore, #tpu.memory_space<semaphore_mem>>, %arg11: memref<!tpu.dma_semaphore, #tpu.memory_space<semaphore_mem>>, %arg12: memref<!tpu.dma_semaphore, #tpu.memory_space<semaphore_mem>>, %arg13: memref<!tpu.dma_semaphore, #tpu.memory_space<semaphore_mem>>, %arg14: memref<!tpu.dma_semaphore, #tpu.memory_space<semaphore_mem>>, %arg15: memref<!tpu.dma_semaphore, #tpu.memory_space<semaphore_mem>>, %arg16: memref<!tpu.dma_semaphore, #tpu.memory_space<semaphore_mem>>, %arg17: memref<!tpu.dma_semaphore, #tpu.memory_space<semaphore_mem>>) attributes {dimension_semantics = [#tpu.dimension_semantics<core_parallel>, #tpu.dimension_semantics<subcore_parallel>], iteration_bounds = array<i64: 2, 16>, scalar_prefetch = 0 : i64, scratch_operands = 13 : i64, tpu.core_type = #tpu.core_type<sc_vector_subcore>, window_params = [{transform_indices = #map}, {transform_indices = #map1}, {transform_indices = #map}]} {
    %mul3A = arith.constant 2 : i32
    %mul3A_0 = arith.muli %arg1, %mul3A : i32
    %add3A = arith.addi %mul3A_0, %arg0 : i32
    %mul3A_1 = arith.constant 3328 : i32
    %mul3A_2 = arith.muli %add3A, %mul3A_1 : i32
    "tpu.region"() ({
      %run_scoped3A = tpu.sem_alloc : memref<!tpu.dma_semaphore, #tpu.memory_space<semaphore_mem>>
      %dma_start3A_625 = arith.constant 0 : i32
      %dma_start3A_626 = arith.constant 0 : i32
      %dma_start3A_627 = tpu.memref_slice %arg3[%add3A, %dma_start3A_625, %dma_start3A_626] : memref<32x26x128xi32, #tpu.memory_space<hbm>> -> memref<1x26x128xi32, #tpu.memory_space<hbm>>
      %dma_start3A_628 = tpu.memref_squeeze %dma_start3A_627 : memref<1x26x128xi32, #tpu.memory_space<hbm>> -> memref<26x128xi32, #tpu.memory_space<hbm>>
      %dma_start3A_629 = arith.constant 0 : i32
      %dma_start3A_630 = arith.constant 0 : i32
      %dma_start3A_631 = tpu.memref_slice %arg3[%add3A, %dma_start3A_629, %dma_start3A_630] : memref<32x26x128xi32, #tpu.memory_space<hbm>> -> memref<1x26x128xi32, #tpu.memory_space<hbm>>
      %dma_start3A_632 = tpu.memref_squeeze %dma_start3A_631 : memref<1x26x128xi32, #tpu.memory_space<hbm>> -> memref<26x128xi32, #tpu.memory_space<hbm>>
      tpu.enqueue_dma source(%dma_start3A_632 : memref<26x128xi32, #tpu.memory_space<hbm>>) target(%arg5 : memref<26x128xi32, #tpu.memory_space<vmem>>) target_semaphore(%run_scoped3A : memref<!tpu.dma_semaphore, #tpu.memory_space<semaphore_mem>>)
      %dma_wait3A_633 = arith.constant 0 : i32
      %dma_wait3A_634 = arith.constant 0 : i32
      %dma_wait3A_635 = tpu.memref_slice %arg3[%add3A, %dma_wait3A_633, %dma_wait3A_634] : memref<32x26x128xi32, #tpu.memory_space<hbm>> -> memref<1x26x128xi32, #tpu.memory_space<hbm>>
      %dma_wait3A_636 = tpu.memref_squeeze %dma_wait3A_635 : memref<1x26x128xi32, #tpu.memory_space<hbm>> -> memref<26x128xi32, #tpu.memory_space<hbm>>
      %dma_wait3A_637 = arith.constant 0 : i32
      %dma_wait3A_638 = arith.constant 0 : i32
      %dma_wait3A_639 = tpu.memref_slice %arg3[%add3A, %dma_wait3A_637, %dma_wait3A_638] : memref<32x26x128xi32, #tpu.memory_space<hbm>> -> memref<1x26x128xi32, #tpu.memory_space<hbm>>
      %dma_wait3A_640 = tpu.memref_squeeze %dma_wait3A_639 : memref<1x26x128xi32, #tpu.memory_space<hbm>> -> memref<26x128xi32, #tpu.memory_space<hbm>>
      tpu.wait_dma2 semaphore(%run_scoped3A : memref<!tpu.dma_semaphore, #tpu.memory_space<semaphore_mem>>) src(%dma_wait3A_640 : memref<26x128xi32, #tpu.memory_space<hbm>>) dst(%arg5 : memref<26x128xi32, #tpu.memory_space<vmem>>)
      tpu.yield
    }) : () -> ()
    %dma_start3A = arith.constant 0 : i32
    %dma_start3A_3 = arith.constant 0 : i32
    %dma_start3A_4 = tpu.memref_slice %arg5[%dma_start3A, %dma_start3A_3] : memref<26x128xi32, #tpu.memory_space<vmem>> -> memref<1x128xi32, #tpu.memory_space<vmem>>
    %dma_start3A_5 = tpu.memref_squeeze %dma_start3A_4 : memref<1x128xi32, #tpu.memory_space<vmem>> -> memref<128xi32, #tpu.memory_space<vmem>>
    %dma_start3A_6 = arith.constant 0 : i32
    %dma_start3A_7 = arith.constant 0 : i32
    %dma_start3A_8 = tpu.memref_slice %arg2[%dma_start3A_6, %dma_start3A_7] : memref<1000000x128xf32, #tpu.memory_space<hbm>> -> memref<1000000x128xf32, #tpu.memory_space<hbm>>
    tpu.enqueue_indirect_dma source(%dma_start3A_8 : memref<1000000x128xf32, #tpu.memory_space<hbm>>) target(%arg6 : memref<128x128xf32, #tpu.memory_space<vmem>>) offsets(%dma_start3A_5 : memref<128xi32, #tpu.memory_space<vmem>>) semaphore(%arg10 : memref<!tpu.dma_semaphore, #tpu.memory_space<semaphore_mem>>)
    %dma_start3A_9 = arith.constant 1 : i32
    %dma_start3A_10 = arith.constant 0 : i32
    %dma_start3A_11 = tpu.memref_slice %arg5[%dma_start3A_9, %dma_start3A_10] : memref<26x128xi32, #tpu.memory_space<vmem>> -> memref<1x128xi32, #tpu.memory_space<vmem>>
    %dma_start3A_12 = tpu.memref_squeeze %dma_start3A_11 : memref<1x128xi32, #tpu.memory_space<vmem>> -> memref<128xi32, #tpu.memory_space<vmem>>
    %dma_start3A_13 = arith.constant 0 : i32
    %dma_start3A_14 = arith.constant 0 : i32
    %dma_start3A_15 = tpu.memref_slice %arg2[%dma_start3A_13, %dma_start3A_14] : memref<1000000x128xf32, #tpu.memory_space<hbm>> -> memref<1000000x128xf32, #tpu.memory_space<hbm>>
    tpu.enqueue_indirect_dma source(%dma_start3A_15 : memref<1000000x128xf32, #tpu.memory_space<hbm>>) target(%arg7 : memref<128x128xf32, #tpu.memory_space<vmem>>) offsets(%dma_start3A_12 : memref<128xi32, #tpu.memory_space<vmem>>) semaphore(%arg11 : memref<!tpu.dma_semaphore, #tpu.memory_space<semaphore_mem>>)
    %dma_start3A_16 = arith.constant 2 : i32
    %dma_start3A_17 = arith.constant 0 : i32
    %dma_start3A_18 = tpu.memref_slice %arg5[%dma_start3A_16, %dma_start3A_17] : memref<26x128xi32, #tpu.memory_space<vmem>> -> memref<1x128xi32, #tpu.memory_space<vmem>>
    %dma_start3A_19 = tpu.memref_squeeze %dma_start3A_18 : memref<1x128xi32, #tpu.memory_space<vmem>> -> memref<128xi32, #tpu.memory_space<vmem>>
    %dma_start3A_20 = arith.constant 0 : i32
    %dma_start3A_21 = arith.constant 0 : i32
    %dma_start3A_22 = tpu.memref_slice %arg2[%dma_start3A_20, %dma_start3A_21] : memref<1000000x128xf32, #tpu.memory_space<hbm>> -> memref<1000000x128xf32, #tpu.memory_space<hbm>>
    tpu.enqueue_indirect_dma source(%dma_start3A_22 : memref<1000000x128xf32, #tpu.memory_space<hbm>>) target(%arg8 : memref<128x128xf32, #tpu.memory_space<vmem>>) offsets(%dma_start3A_19 : memref<128xi32, #tpu.memory_space<vmem>>) semaphore(%arg12 : memref<!tpu.dma_semaphore, #tpu.memory_space<semaphore_mem>>)
    %dma_start3A_23 = arith.constant 3 : i32
    %dma_start3A_24 = arith.constant 0 : i32
    %dma_start3A_25 = tpu.memref_slice %arg5[%dma_start3A_23, %dma_start3A_24] : memref<26x128xi32, #tpu.memory_space<vmem>> -> memref<1x128xi32, #tpu.memory_space<vmem>>
    %dma_start3A_26 = tpu.memref_squeeze %dma_start3A_25 : memref<1x128xi32, #tpu.memory_space<vmem>> -> memref<128xi32, #tpu.memory_space<vmem>>
    %dma_start3A_27 = arith.constant 0 : i32
    %dma_start3A_28 = arith.constant 0 : i32
    %dma_start3A_29 = tpu.memref_slice %arg2[%dma_start3A_27, %dma_start3A_28] : memref<1000000x128xf32, #tpu.memory_space<hbm>> -> memref<1000000x128xf32, #tpu.memory_space<hbm>>
    tpu.enqueue_indirect_dma source(%dma_start3A_29 : memref<1000000x128xf32, #tpu.memory_space<hbm>>) target(%arg9 : memref<128x128xf32, #tpu.memory_space<vmem>>) offsets(%dma_start3A_26 : memref<128xi32, #tpu.memory_space<vmem>>) semaphore(%arg13 : memref<!tpu.dma_semaphore, #tpu.memory_space<semaphore_mem>>)
    %dma_wait3A = arith.constant 0 : i32
    %dma_wait3A_30 = arith.constant 0 : i32
    %dma_wait3A_31 = tpu.memref_slice %arg5[%dma_wait3A, %dma_wait3A_30] : memref<26x128xi32, #tpu.memory_space<vmem>> -> memref<1x128xi32, #tpu.memory_space<vmem>>
    %dma_wait3A_32 = tpu.memref_squeeze %dma_wait3A_31 : memref<1x128xi32, #tpu.memory_space<vmem>> -> memref<128xi32, #tpu.memory_space<vmem>>
    %dma_wait3A_33 = arith.constant 0 : i32
    %dma_wait3A_34 = arith.constant 0 : i32
    %dma_wait3A_35 = tpu.memref_slice %arg2[%dma_wait3A_33, %dma_wait3A_34] : memref<1000000x128xf32, #tpu.memory_space<hbm>> -> memref<1000000x128xf32, #tpu.memory_space<hbm>>
    tpu.wait_indirect_dma semaphore(%arg10 : memref<!tpu.dma_semaphore, #tpu.memory_space<semaphore_mem>>) src(%dma_wait3A_35 : memref<1000000x128xf32, #tpu.memory_space<hbm>>) dst(%arg6 : memref<128x128xf32, #tpu.memory_space<vmem>>)
    %add3A_36 = arith.constant 0 : i32
    %add3A_37 = arith.addi %mul3A_2, %add3A_36 : i32
    %dma_start3A_38 = arith.constant 0 : i32
    %dma_start3A_39 = tpu.memref_slice %arg4[%add3A_37, %dma_start3A_38] : memref<106496x128xf32, #tpu.memory_space<hbm>> -> memref<128x128xf32, #tpu.memory_space<hbm>>
    %dma_start3A_40 = arith.constant 0 : i32
    %dma_start3A_41 = tpu.memref_slice %arg4[%add3A_37, %dma_start3A_40] : memref<106496x128xf32, #tpu.memory_space<hbm>> -> memref<128x128xf32, #tpu.memory_space<hbm>>
    tpu.enqueue_dma source(%arg6 : memref<128x128xf32, #tpu.memory_space<vmem>>) target(%dma_start3A_41 : memref<128x128xf32, #tpu.memory_space<hbm>>) target_semaphore(%arg14 : memref<!tpu.dma_semaphore, #tpu.memory_space<semaphore_mem>>)
    %dma_wait3A_42 = arith.constant 1 : i32
    %dma_wait3A_43 = arith.constant 0 : i32
    %dma_wait3A_44 = tpu.memref_slice %arg5[%dma_wait3A_42, %dma_wait3A_43] : memref<26x128xi32, #tpu.memory_space<vmem>> -> memref<1x128xi32, #tpu.memory_space<vmem>>
    %dma_wait3A_45 = tpu.memref_squeeze %dma_wait3A_44 : memref<1x128xi32, #tpu.memory_space<vmem>> -> memref<128xi32, #tpu.memory_space<vmem>>
    %dma_wait3A_46 = arith.constant 0 : i32
    %dma_wait3A_47 = arith.constant 0 : i32
    %dma_wait3A_48 = tpu.memref_slice %arg2[%dma_wait3A_46, %dma_wait3A_47] : memref<1000000x128xf32, #tpu.memory_space<hbm>> -> memref<1000000x128xf32, #tpu.memory_space<hbm>>
    tpu.wait_indirect_dma semaphore(%arg11 : memref<!tpu.dma_semaphore, #tpu.memory_space<semaphore_mem>>) src(%dma_wait3A_48 : memref<1000000x128xf32, #tpu.memory_space<hbm>>) dst(%arg7 : memref<128x128xf32, #tpu.memory_space<vmem>>)
    %add3A_49 = arith.constant 128 : i32
    %add3A_50 = arith.addi %mul3A_2, %add3A_49 : i32
    %dma_start3A_51 = arith.constant 0 : i32
    %dma_start3A_52 = tpu.memref_slice %arg4[%add3A_50, %dma_start3A_51] : memref<106496x128xf32, #tpu.memory_space<hbm>> -> memref<128x128xf32, #tpu.memory_space<hbm>>
    %dma_start3A_53 = arith.constant 0 : i32
    %dma_start3A_54 = tpu.memref_slice %arg4[%add3A_50, %dma_start3A_53] : memref<106496x128xf32, #tpu.memory_space<hbm>> -> memref<128x128xf32, #tpu.memory_space<hbm>>
    tpu.enqueue_dma source(%arg7 : memref<128x128xf32, #tpu.memory_space<vmem>>) target(%dma_start3A_54 : memref<128x128xf32, #tpu.memory_space<hbm>>) target_semaphore(%arg15 : memref<!tpu.dma_semaphore, #tpu.memory_space<semaphore_mem>>)
    %dma_wait3A_55 = arith.constant 2 : i32
    %dma_wait3A_56 = arith.constant 0 : i32
    %dma_wait3A_57 = tpu.memref_slice %arg5[%dma_wait3A_55, %dma_wait3A_56] : memref<26x128xi32, #tpu.memory_space<vmem>> -> memref<1x128xi32, #tpu.memory_space<vmem>>
    %dma_wait3A_58 = tpu.memref_squeeze %dma_wait3A_57 : memref<1x128xi32, #tpu.memory_space<vmem>> -> memref<128xi32, #tpu.memory_space<vmem>>
    %dma_wait3A_59 = arith.constant 0 : i32
    %dma_wait3A_60 = arith.constant 0 : i32
    %dma_wait3A_61 = tpu.memref_slice %arg2[%dma_wait3A_59, %dma_wait3A_60] : memref<1000000x128xf32, #tpu.memory_space<hbm>> -> memref<1000000x128xf32, #tpu.memory_space<hbm>>
    tpu.wait_indirect_dma semaphore(%arg12 : memref<!tpu.dma_semaphore, #tpu.memory_space<semaphore_mem>>) src(%dma_wait3A_61 : memref<1000000x128xf32, #tpu.memory_space<hbm>>) dst(%arg8 : memref<128x128xf32, #tpu.memory_space<vmem>>)
    %add3A_62 = arith.constant 256 : i32
    %add3A_63 = arith.addi %mul3A_2, %add3A_62 : i32
    %dma_start3A_64 = arith.constant 0 : i32
    %dma_start3A_65 = tpu.memref_slice %arg4[%add3A_63, %dma_start3A_64] : memref<106496x128xf32, #tpu.memory_space<hbm>> -> memref<128x128xf32, #tpu.memory_space<hbm>>
    %dma_start3A_66 = arith.constant 0 : i32
    %dma_start3A_67 = tpu.memref_slice %arg4[%add3A_63, %dma_start3A_66] : memref<106496x128xf32, #tpu.memory_space<hbm>> -> memref<128x128xf32, #tpu.memory_space<hbm>>
    tpu.enqueue_dma source(%arg8 : memref<128x128xf32, #tpu.memory_space<vmem>>) target(%dma_start3A_67 : memref<128x128xf32, #tpu.memory_space<hbm>>) target_semaphore(%arg16 : memref<!tpu.dma_semaphore, #tpu.memory_space<semaphore_mem>>)
    %dma_wait3A_68 = arith.constant 0 : i32
    %dma_wait3A_69 = tpu.memref_slice %arg4[%add3A_37, %dma_wait3A_68] : memref<106496x128xf32, #tpu.memory_space<hbm>> -> memref<128x128xf32, #tpu.memory_space<hbm>>
    %dma_wait3A_70 = arith.constant 0 : i32
    %dma_wait3A_71 = tpu.memref_slice %arg4[%add3A_37, %dma_wait3A_70] : memref<106496x128xf32, #tpu.memory_space<hbm>> -> memref<128x128xf32, #tpu.memory_space<hbm>>
    tpu.wait_dma2 semaphore(%arg14 : memref<!tpu.dma_semaphore, #tpu.memory_space<semaphore_mem>>) src(%arg6 : memref<128x128xf32, #tpu.memory_space<vmem>>) dst(%dma_wait3A_71 : memref<128x128xf32, #tpu.memory_space<hbm>>)
    %dma_start3A_72 = arith.constant 4 : i32
    %dma_start3A_73 = arith.constant 0 : i32
    %dma_start3A_74 = tpu.memref_slice %arg5[%dma_start3A_72, %dma_start3A_73] : memref<26x128xi32, #tpu.memory_space<vmem>> -> memref<1x128xi32, #tpu.memory_space<vmem>>
    %dma_start3A_75 = tpu.memref_squeeze %dma_start3A_74 : memref<1x128xi32, #tpu.memory_space<vmem>> -> memref<128xi32, #tpu.memory_space<vmem>>
    %dma_start3A_76 = arith.constant 0 : i32
    %dma_start3A_77 = arith.constant 0 : i32
    %dma_start3A_78 = tpu.memref_slice %arg2[%dma_start3A_76, %dma_start3A_77] : memref<1000000x128xf32, #tpu.memory_space<hbm>> -> memref<1000000x128xf32, #tpu.memory_space<hbm>>
    tpu.enqueue_indirect_dma source(%dma_start3A_78 : memref<1000000x128xf32, #tpu.memory_space<hbm>>) target(%arg6 : memref<128x128xf32, #tpu.memory_space<vmem>>) offsets(%dma_start3A_75 : memref<128xi32, #tpu.memory_space<vmem>>) semaphore(%arg10 : memref<!tpu.dma_semaphore, #tpu.memory_space<semaphore_mem>>)
    %dma_wait3A_79 = arith.constant 3 : i32
    %dma_wait3A_80 = arith.constant 0 : i32
    %dma_wait3A_81 = tpu.memref_slice %arg5[%dma_wait3A_79, %dma_wait3A_80] : memref<26x128xi32, #tpu.memory_space<vmem>> -> memref<1x128xi32, #tpu.memory_space<vmem>>
    %dma_wait3A_82 = tpu.memref_squeeze %dma_wait3A_81 : memref<1x128xi32, #tpu.memory_space<vmem>> -> memref<128xi32, #tpu.memory_space<vmem>>
    %dma_wait3A_83 = arith.constant 0 : i32
    %dma_wait3A_84 = arith.constant 0 : i32
    %dma_wait3A_85 = tpu.memref_slice %arg2[%dma_wait3A_83, %dma_wait3A_84] : memref<1000000x128xf32, #tpu.memory_space<hbm>> -> memref<1000000x128xf32, #tpu.memory_space<hbm>>
    tpu.wait_indirect_dma semaphore(%arg13 : memref<!tpu.dma_semaphore, #tpu.memory_space<semaphore_mem>>) src(%dma_wait3A_85 : memref<1000000x128xf32, #tpu.memory_space<hbm>>) dst(%arg9 : memref<128x128xf32, #tpu.memory_space<vmem>>)
    %add3A_86 = arith.constant 384 : i32
    %add3A_87 = arith.addi %mul3A_2, %add3A_86 : i32
    %dma_start3A_88 = arith.constant 0 : i32
    %dma_start3A_89 = tpu.memref_slice %arg4[%add3A_87, %dma_start3A_88] : memref<106496x128xf32, #tpu.memory_space<hbm>> -> memref<128x128xf32, #tpu.memory_space<hbm>>
    %dma_start3A_90 = arith.constant 0 : i32
    %dma_start3A_91 = tpu.memref_slice %arg4[%add3A_87, %dma_start3A_90] : memref<106496x128xf32, #tpu.memory_space<hbm>> -> memref<128x128xf32, #tpu.memory_space<hbm>>
    tpu.enqueue_dma source(%arg9 : memref<128x128xf32, #tpu.memory_space<vmem>>) target(%dma_start3A_91 : memref<128x128xf32, #tpu.memory_space<hbm>>) target_semaphore(%arg17 : memref<!tpu.dma_semaphore, #tpu.memory_space<semaphore_mem>>)
    %dma_wait3A_92 = arith.constant 0 : i32
    %dma_wait3A_93 = tpu.memref_slice %arg4[%add3A_50, %dma_wait3A_92] : memref<106496x128xf32, #tpu.memory_space<hbm>> -> memref<128x128xf32, #tpu.memory_space<hbm>>
    %dma_wait3A_94 = arith.constant 0 : i32
    %dma_wait3A_95 = tpu.memref_slice %arg4[%add3A_50, %dma_wait3A_94] : memref<106496x128xf32, #tpu.memory_space<hbm>> -> memref<128x128xf32, #tpu.memory_space<hbm>>
    tpu.wait_dma2 semaphore(%arg15 : memref<!tpu.dma_semaphore, #tpu.memory_space<semaphore_mem>>) src(%arg7 : memref<128x128xf32, #tpu.memory_space<vmem>>) dst(%dma_wait3A_95 : memref<128x128xf32, #tpu.memory_space<hbm>>)
    %dma_start3A_96 = arith.constant 5 : i32
    %dma_start3A_97 = arith.constant 0 : i32
    %dma_start3A_98 = tpu.memref_slice %arg5[%dma_start3A_96, %dma_start3A_97] : memref<26x128xi32, #tpu.memory_space<vmem>> -> memref<1x128xi32, #tpu.memory_space<vmem>>
    %dma_start3A_99 = tpu.memref_squeeze %dma_start3A_98 : memref<1x128xi32, #tpu.memory_space<vmem>> -> memref<128xi32, #tpu.memory_space<vmem>>
    %dma_start3A_100 = arith.constant 0 : i32
    %dma_start3A_101 = arith.constant 0 : i32
    %dma_start3A_102 = tpu.memref_slice %arg2[%dma_start3A_100, %dma_start3A_101] : memref<1000000x128xf32, #tpu.memory_space<hbm>> -> memref<1000000x128xf32, #tpu.memory_space<hbm>>
    tpu.enqueue_indirect_dma source(%dma_start3A_102 : memref<1000000x128xf32, #tpu.memory_space<hbm>>) target(%arg7 : memref<128x128xf32, #tpu.memory_space<vmem>>) offsets(%dma_start3A_99 : memref<128xi32, #tpu.memory_space<vmem>>) semaphore(%arg11 : memref<!tpu.dma_semaphore, #tpu.memory_space<semaphore_mem>>)
    %dma_wait3A_103 = arith.constant 4 : i32
    %dma_wait3A_104 = arith.constant 0 : i32
    %dma_wait3A_105 = tpu.memref_slice %arg5[%dma_wait3A_103, %dma_wait3A_104] : memref<26x128xi32, #tpu.memory_space<vmem>> -> memref<1x128xi32, #tpu.memory_space<vmem>>
    %dma_wait3A_106 = tpu.memref_squeeze %dma_wait3A_105 : memref<1x128xi32, #tpu.memory_space<vmem>> -> memref<128xi32, #tpu.memory_space<vmem>>
    %dma_wait3A_107 = arith.constant 0 : i32
    %dma_wait3A_108 = arith.constant 0 : i32
    %dma_wait3A_109 = tpu.memref_slice %arg2[%dma_wait3A_107, %dma_wait3A_108] : memref<1000000x128xf32, #tpu.memory_space<hbm>> -> memref<1000000x128xf32, #tpu.memory_space<hbm>>
    tpu.wait_indirect_dma semaphore(%arg10 : memref<!tpu.dma_semaphore, #tpu.memory_space<semaphore_mem>>) src(%dma_wait3A_109 : memref<1000000x128xf32, #tpu.memory_space<hbm>>) dst(%arg6 : memref<128x128xf32, #tpu.memory_space<vmem>>)
    %add3A_110 = arith.constant 512 : i32
    %add3A_111 = arith.addi %mul3A_2, %add3A_110 : i32
    %dma_start3A_112 = arith.constant 0 : i32
    %dma_start3A_113 = tpu.memref_slice %arg4[%add3A_111, %dma_start3A_112] : memref<106496x128xf32, #tpu.memory_space<hbm>> -> memref<128x128xf32, #tpu.memory_space<hbm>>
    %dma_start3A_114 = arith.constant 0 : i32
    %dma_start3A_115 = tpu.memref_slice %arg4[%add3A_111, %dma_start3A_114] : memref<106496x128xf32, #tpu.memory_space<hbm>> -> memref<128x128xf32, #tpu.memory_space<hbm>>
    tpu.enqueue_dma source(%arg6 : memref<128x128xf32, #tpu.memory_space<vmem>>) target(%dma_start3A_115 : memref<128x128xf32, #tpu.memory_space<hbm>>) target_semaphore(%arg14 : memref<!tpu.dma_semaphore, #tpu.memory_space<semaphore_mem>>)
    %dma_wait3A_116 = arith.constant 0 : i32
    %dma_wait3A_117 = tpu.memref_slice %arg4[%add3A_63, %dma_wait3A_116] : memref<106496x128xf32, #tpu.memory_space<hbm>> -> memref<128x128xf32, #tpu.memory_space<hbm>>
    %dma_wait3A_118 = arith.constant 0 : i32
    %dma_wait3A_119 = tpu.memref_slice %arg4[%add3A_63, %dma_wait3A_118] : memref<106496x128xf32, #tpu.memory_space<hbm>> -> memref<128x128xf32, #tpu.memory_space<hbm>>
    tpu.wait_dma2 semaphore(%arg16 : memref<!tpu.dma_semaphore, #tpu.memory_space<semaphore_mem>>) src(%arg8 : memref<128x128xf32, #tpu.memory_space<vmem>>) dst(%dma_wait3A_119 : memref<128x128xf32, #tpu.memory_space<hbm>>)
    %dma_start3A_120 = arith.constant 6 : i32
    %dma_start3A_121 = arith.constant 0 : i32
    %dma_start3A_122 = tpu.memref_slice %arg5[%dma_start3A_120, %dma_start3A_121] : memref<26x128xi32, #tpu.memory_space<vmem>> -> memref<1x128xi32, #tpu.memory_space<vmem>>
    %dma_start3A_123 = tpu.memref_squeeze %dma_start3A_122 : memref<1x128xi32, #tpu.memory_space<vmem>> -> memref<128xi32, #tpu.memory_space<vmem>>
    %dma_start3A_124 = arith.constant 0 : i32
    %dma_start3A_125 = arith.constant 0 : i32
    %dma_start3A_126 = tpu.memref_slice %arg2[%dma_start3A_124, %dma_start3A_125] : memref<1000000x128xf32, #tpu.memory_space<hbm>> -> memref<1000000x128xf32, #tpu.memory_space<hbm>>
    tpu.enqueue_indirect_dma source(%dma_start3A_126 : memref<1000000x128xf32, #tpu.memory_space<hbm>>) target(%arg8 : memref<128x128xf32, #tpu.memory_space<vmem>>) offsets(%dma_start3A_123 : memref<128xi32, #tpu.memory_space<vmem>>) semaphore(%arg12 : memref<!tpu.dma_semaphore, #tpu.memory_space<semaphore_mem>>)
    %dma_wait3A_127 = arith.constant 5 : i32
    %dma_wait3A_128 = arith.constant 0 : i32
    %dma_wait3A_129 = tpu.memref_slice %arg5[%dma_wait3A_127, %dma_wait3A_128] : memref<26x128xi32, #tpu.memory_space<vmem>> -> memref<1x128xi32, #tpu.memory_space<vmem>>
    %dma_wait3A_130 = tpu.memref_squeeze %dma_wait3A_129 : memref<1x128xi32, #tpu.memory_space<vmem>> -> memref<128xi32, #tpu.memory_space<vmem>>
    %dma_wait3A_131 = arith.constant 0 : i32
    %dma_wait3A_132 = arith.constant 0 : i32
    %dma_wait3A_133 = tpu.memref_slice %arg2[%dma_wait3A_131, %dma_wait3A_132] : memref<1000000x128xf32, #tpu.memory_space<hbm>> -> memref<1000000x128xf32, #tpu.memory_space<hbm>>
    tpu.wait_indirect_dma semaphore(%arg11 : memref<!tpu.dma_semaphore, #tpu.memory_space<semaphore_mem>>) src(%dma_wait3A_133 : memref<1000000x128xf32, #tpu.memory_space<hbm>>) dst(%arg7 : memref<128x128xf32, #tpu.memory_space<vmem>>)
    %add3A_134 = arith.constant 640 : i32
    %add3A_135 = arith.addi %mul3A_2, %add3A_134 : i32
    %dma_start3A_136 = arith.constant 0 : i32
    %dma_start3A_137 = tpu.memref_slice %arg4[%add3A_135, %dma_start3A_136] : memref<106496x128xf32, #tpu.memory_space<hbm>> -> memref<128x128xf32, #tpu.memory_space<hbm>>
    %dma_start3A_138 = arith.constant 0 : i32
    %dma_start3A_139 = tpu.memref_slice %arg4[%add3A_135, %dma_start3A_138] : memref<106496x128xf32, #tpu.memory_space<hbm>> -> memref<128x128xf32, #tpu.memory_space<hbm>>
    tpu.enqueue_dma source(%arg7 : memref<128x128xf32, #tpu.memory_space<vmem>>) target(%dma_start3A_139 : memref<128x128xf32, #tpu.memory_space<hbm>>) target_semaphore(%arg15 : memref<!tpu.dma_semaphore, #tpu.memory_space<semaphore_mem>>)
    %dma_wait3A_140 = arith.constant 0 : i32
    %dma_wait3A_141 = tpu.memref_slice %arg4[%add3A_87, %dma_wait3A_140] : memref<106496x128xf32, #tpu.memory_space<hbm>> -> memref<128x128xf32, #tpu.memory_space<hbm>>
    %dma_wait3A_142 = arith.constant 0 : i32
    %dma_wait3A_143 = tpu.memref_slice %arg4[%add3A_87, %dma_wait3A_142] : memref<106496x128xf32, #tpu.memory_space<hbm>> -> memref<128x128xf32, #tpu.memory_space<hbm>>
    tpu.wait_dma2 semaphore(%arg17 : memref<!tpu.dma_semaphore, #tpu.memory_space<semaphore_mem>>) src(%arg9 : memref<128x128xf32, #tpu.memory_space<vmem>>) dst(%dma_wait3A_143 : memref<128x128xf32, #tpu.memory_space<hbm>>)
    %dma_start3A_144 = arith.constant 7 : i32
    %dma_start3A_145 = arith.constant 0 : i32
    %dma_start3A_146 = tpu.memref_slice %arg5[%dma_start3A_144, %dma_start3A_145] : memref<26x128xi32, #tpu.memory_space<vmem>> -> memref<1x128xi32, #tpu.memory_space<vmem>>
    %dma_start3A_147 = tpu.memref_squeeze %dma_start3A_146 : memref<1x128xi32, #tpu.memory_space<vmem>> -> memref<128xi32, #tpu.memory_space<vmem>>
    %dma_start3A_148 = arith.constant 0 : i32
    %dma_start3A_149 = arith.constant 0 : i32
    %dma_start3A_150 = tpu.memref_slice %arg2[%dma_start3A_148, %dma_start3A_149] : memref<1000000x128xf32, #tpu.memory_space<hbm>> -> memref<1000000x128xf32, #tpu.memory_space<hbm>>
    tpu.enqueue_indirect_dma source(%dma_start3A_150 : memref<1000000x128xf32, #tpu.memory_space<hbm>>) target(%arg9 : memref<128x128xf32, #tpu.memory_space<vmem>>) offsets(%dma_start3A_147 : memref<128xi32, #tpu.memory_space<vmem>>) semaphore(%arg13 : memref<!tpu.dma_semaphore, #tpu.memory_space<semaphore_mem>>)
    %dma_wait3A_151 = arith.constant 6 : i32
    %dma_wait3A_152 = arith.constant 0 : i32
    %dma_wait3A_153 = tpu.memref_slice %arg5[%dma_wait3A_151, %dma_wait3A_152] : memref<26x128xi32, #tpu.memory_space<vmem>> -> memref<1x128xi32, #tpu.memory_space<vmem>>
    %dma_wait3A_154 = tpu.memref_squeeze %dma_wait3A_153 : memref<1x128xi32, #tpu.memory_space<vmem>> -> memref<128xi32, #tpu.memory_space<vmem>>
    %dma_wait3A_155 = arith.constant 0 : i32
    %dma_wait3A_156 = arith.constant 0 : i32
    %dma_wait3A_157 = tpu.memref_slice %arg2[%dma_wait3A_155, %dma_wait3A_156] : memref<1000000x128xf32, #tpu.memory_space<hbm>> -> memref<1000000x128xf32, #tpu.memory_space<hbm>>
    tpu.wait_indirect_dma semaphore(%arg12 : memref<!tpu.dma_semaphore, #tpu.memory_space<semaphore_mem>>) src(%dma_wait3A_157 : memref<1000000x128xf32, #tpu.memory_space<hbm>>) dst(%arg8 : memref<128x128xf32, #tpu.memory_space<vmem>>)
    %add3A_158 = arith.constant 768 : i32
    %add3A_159 = arith.addi %mul3A_2, %add3A_158 : i32
    %dma_start3A_160 = arith.constant 0 : i32
    %dma_start3A_161 = tpu.memref_slice %arg4[%add3A_159, %dma_start3A_160] : memref<106496x128xf32, #tpu.memory_space<hbm>> -> memref<128x128xf32, #tpu.memory_space<hbm>>
    %dma_start3A_162 = arith.constant 0 : i32
    %dma_start3A_163 = tpu.memref_slice %arg4[%add3A_159, %dma_start3A_162] : memref<106496x128xf32, #tpu.memory_space<hbm>> -> memref<128x128xf32, #tpu.memory_space<hbm>>
    tpu.enqueue_dma source(%arg8 : memref<128x128xf32, #tpu.memory_space<vmem>>) target(%dma_start3A_163 : memref<128x128xf32, #tpu.memory_space<hbm>>) target_semaphore(%arg16 : memref<!tpu.dma_semaphore, #tpu.memory_space<semaphore_mem>>)
    %dma_wait3A_164 = arith.constant 0 : i32
    %dma_wait3A_165 = tpu.memref_slice %arg4[%add3A_111, %dma_wait3A_164] : memref<106496x128xf32, #tpu.memory_space<hbm>> -> memref<128x128xf32, #tpu.memory_space<hbm>>
    %dma_wait3A_166 = arith.constant 0 : i32
    %dma_wait3A_167 = tpu.memref_slice %arg4[%add3A_111, %dma_wait3A_166] : memref<106496x128xf32, #tpu.memory_space<hbm>> -> memref<128x128xf32, #tpu.memory_space<hbm>>
    tpu.wait_dma2 semaphore(%arg14 : memref<!tpu.dma_semaphore, #tpu.memory_space<semaphore_mem>>) src(%arg6 : memref<128x128xf32, #tpu.memory_space<vmem>>) dst(%dma_wait3A_167 : memref<128x128xf32, #tpu.memory_space<hbm>>)
    %dma_start3A_168 = arith.constant 8 : i32
    %dma_start3A_169 = arith.constant 0 : i32
    %dma_start3A_170 = tpu.memref_slice %arg5[%dma_start3A_168, %dma_start3A_169] : memref<26x128xi32, #tpu.memory_space<vmem>> -> memref<1x128xi32, #tpu.memory_space<vmem>>
    %dma_start3A_171 = tpu.memref_squeeze %dma_start3A_170 : memref<1x128xi32, #tpu.memory_space<vmem>> -> memref<128xi32, #tpu.memory_space<vmem>>
    %dma_start3A_172 = arith.constant 0 : i32
    %dma_start3A_173 = arith.constant 0 : i32
    %dma_start3A_174 = tpu.memref_slice %arg2[%dma_start3A_172, %dma_start3A_173] : memref<1000000x128xf32, #tpu.memory_space<hbm>> -> memref<1000000x128xf32, #tpu.memory_space<hbm>>
    tpu.enqueue_indirect_dma source(%dma_start3A_174 : memref<1000000x128xf32, #tpu.memory_space<hbm>>) target(%arg6 : memref<128x128xf32, #tpu.memory_space<vmem>>) offsets(%dma_start3A_171 : memref<128xi32, #tpu.memory_space<vmem>>) semaphore(%arg10 : memref<!tpu.dma_semaphore, #tpu.memory_space<semaphore_mem>>)
    %dma_wait3A_175 = arith.constant 7 : i32
    %dma_wait3A_176 = arith.constant 0 : i32
    %dma_wait3A_177 = tpu.memref_slice %arg5[%dma_wait3A_175, %dma_wait3A_176] : memref<26x128xi32, #tpu.memory_space<vmem>> -> memref<1x128xi32, #tpu.memory_space<vmem>>
    %dma_wait3A_178 = tpu.memref_squeeze %dma_wait3A_177 : memref<1x128xi32, #tpu.memory_space<vmem>> -> memref<128xi32, #tpu.memory_space<vmem>>
    %dma_wait3A_179 = arith.constant 0 : i32
    %dma_wait3A_180 = arith.constant 0 : i32
    %dma_wait3A_181 = tpu.memref_slice %arg2[%dma_wait3A_179, %dma_wait3A_180] : memref<1000000x128xf32, #tpu.memory_space<hbm>> -> memref<1000000x128xf32, #tpu.memory_space<hbm>>
    tpu.wait_indirect_dma semaphore(%arg13 : memref<!tpu.dma_semaphore, #tpu.memory_space<semaphore_mem>>) src(%dma_wait3A_181 : memref<1000000x128xf32, #tpu.memory_space<hbm>>) dst(%arg9 : memref<128x128xf32, #tpu.memory_space<vmem>>)
    %add3A_182 = arith.constant 896 : i32
    %add3A_183 = arith.addi %mul3A_2, %add3A_182 : i32
    %dma_start3A_184 = arith.constant 0 : i32
    %dma_start3A_185 = tpu.memref_slice %arg4[%add3A_183, %dma_start3A_184] : memref<106496x128xf32, #tpu.memory_space<hbm>> -> memref<128x128xf32, #tpu.memory_space<hbm>>
    %dma_start3A_186 = arith.constant 0 : i32
    %dma_start3A_187 = tpu.memref_slice %arg4[%add3A_183, %dma_start3A_186] : memref<106496x128xf32, #tpu.memory_space<hbm>> -> memref<128x128xf32, #tpu.memory_space<hbm>>
    tpu.enqueue_dma source(%arg9 : memref<128x128xf32, #tpu.memory_space<vmem>>) target(%dma_start3A_187 : memref<128x128xf32, #tpu.memory_space<hbm>>) target_semaphore(%arg17 : memref<!tpu.dma_semaphore, #tpu.memory_space<semaphore_mem>>)
    %dma_wait3A_188 = arith.constant 0 : i32
    %dma_wait3A_189 = tpu.memref_slice %arg4[%add3A_135, %dma_wait3A_188] : memref<106496x128xf32, #tpu.memory_space<hbm>> -> memref<128x128xf32, #tpu.memory_space<hbm>>
    %dma_wait3A_190 = arith.constant 0 : i32
    %dma_wait3A_191 = tpu.memref_slice %arg4[%add3A_135, %dma_wait3A_190] : memref<106496x128xf32, #tpu.memory_space<hbm>> -> memref<128x128xf32, #tpu.memory_space<hbm>>
    tpu.wait_dma2 semaphore(%arg15 : memref<!tpu.dma_semaphore, #tpu.memory_space<semaphore_mem>>) src(%arg7 : memref<128x128xf32, #tpu.memory_space<vmem>>) dst(%dma_wait3A_191 : memref<128x128xf32, #tpu.memory_space<hbm>>)
    %dma_start3A_192 = arith.constant 9 : i32
    %dma_start3A_193 = arith.constant 0 : i32
    %dma_start3A_194 = tpu.memref_slice %arg5[%dma_start3A_192, %dma_start3A_193] : memref<26x128xi32, #tpu.memory_space<vmem>> -> memref<1x128xi32, #tpu.memory_space<vmem>>
    %dma_start3A_195 = tpu.memref_squeeze %dma_start3A_194 : memref<1x128xi32, #tpu.memory_space<vmem>> -> memref<128xi32, #tpu.memory_space<vmem>>
    %dma_start3A_196 = arith.constant 0 : i32
    %dma_start3A_197 = arith.constant 0 : i32
    %dma_start3A_198 = tpu.memref_slice %arg2[%dma_start3A_196, %dma_start3A_197] : memref<1000000x128xf32, #tpu.memory_space<hbm>> -> memref<1000000x128xf32, #tpu.memory_space<hbm>>
    tpu.enqueue_indirect_dma source(%dma_start3A_198 : memref<1000000x128xf32, #tpu.memory_space<hbm>>) target(%arg7 : memref<128x128xf32, #tpu.memory_space<vmem>>) offsets(%dma_start3A_195 : memref<128xi32, #tpu.memory_space<vmem>>) semaphore(%arg11 : memref<!tpu.dma_semaphore, #tpu.memory_space<semaphore_mem>>)
    %dma_wait3A_199 = arith.constant 8 : i32
    %dma_wait3A_200 = arith.constant 0 : i32
    %dma_wait3A_201 = tpu.memref_slice %arg5[%dma_wait3A_199, %dma_wait3A_200] : memref<26x128xi32, #tpu.memory_space<vmem>> -> memref<1x128xi32, #tpu.memory_space<vmem>>
    %dma_wait3A_202 = tpu.memref_squeeze %dma_wait3A_201 : memref<1x128xi32, #tpu.memory_space<vmem>> -> memref<128xi32, #tpu.memory_space<vmem>>
    %dma_wait3A_203 = arith.constant 0 : i32
    %dma_wait3A_204 = arith.constant 0 : i32
    %dma_wait3A_205 = tpu.memref_slice %arg2[%dma_wait3A_203, %dma_wait3A_204] : memref<1000000x128xf32, #tpu.memory_space<hbm>> -> memref<1000000x128xf32, #tpu.memory_space<hbm>>
    tpu.wait_indirect_dma semaphore(%arg10 : memref<!tpu.dma_semaphore, #tpu.memory_space<semaphore_mem>>) src(%dma_wait3A_205 : memref<1000000x128xf32, #tpu.memory_space<hbm>>) dst(%arg6 : memref<128x128xf32, #tpu.memory_space<vmem>>)
    %add3A_206 = arith.constant 1024 : i32
    %add3A_207 = arith.addi %mul3A_2, %add3A_206 : i32
    %dma_start3A_208 = arith.constant 0 : i32
    %dma_start3A_209 = tpu.memref_slice %arg4[%add3A_207, %dma_start3A_208] : memref<106496x128xf32, #tpu.memory_space<hbm>> -> memref<128x128xf32, #tpu.memory_space<hbm>>
    %dma_start3A_210 = arith.constant 0 : i32
    %dma_start3A_211 = tpu.memref_slice %arg4[%add3A_207, %dma_start3A_210] : memref<106496x128xf32, #tpu.memory_space<hbm>> -> memref<128x128xf32, #tpu.memory_space<hbm>>
    tpu.enqueue_dma source(%arg6 : memref<128x128xf32, #tpu.memory_space<vmem>>) target(%dma_start3A_211 : memref<128x128xf32, #tpu.memory_space<hbm>>) target_semaphore(%arg14 : memref<!tpu.dma_semaphore, #tpu.memory_space<semaphore_mem>>)
    %dma_wait3A_212 = arith.constant 0 : i32
    %dma_wait3A_213 = tpu.memref_slice %arg4[%add3A_159, %dma_wait3A_212] : memref<106496x128xf32, #tpu.memory_space<hbm>> -> memref<128x128xf32, #tpu.memory_space<hbm>>
    %dma_wait3A_214 = arith.constant 0 : i32
    %dma_wait3A_215 = tpu.memref_slice %arg4[%add3A_159, %dma_wait3A_214] : memref<106496x128xf32, #tpu.memory_space<hbm>> -> memref<128x128xf32, #tpu.memory_space<hbm>>
    tpu.wait_dma2 semaphore(%arg16 : memref<!tpu.dma_semaphore, #tpu.memory_space<semaphore_mem>>) src(%arg8 : memref<128x128xf32, #tpu.memory_space<vmem>>) dst(%dma_wait3A_215 : memref<128x128xf32, #tpu.memory_space<hbm>>)
    %dma_start3A_216 = arith.constant 10 : i32
    %dma_start3A_217 = arith.constant 0 : i32
    %dma_start3A_218 = tpu.memref_slice %arg5[%dma_start3A_216, %dma_start3A_217] : memref<26x128xi32, #tpu.memory_space<vmem>> -> memref<1x128xi32, #tpu.memory_space<vmem>>
    %dma_start3A_219 = tpu.memref_squeeze %dma_start3A_218 : memref<1x128xi32, #tpu.memory_space<vmem>> -> memref<128xi32, #tpu.memory_space<vmem>>
    %dma_start3A_220 = arith.constant 0 : i32
    %dma_start3A_221 = arith.constant 0 : i32
    %dma_start3A_222 = tpu.memref_slice %arg2[%dma_start3A_220, %dma_start3A_221] : memref<1000000x128xf32, #tpu.memory_space<hbm>> -> memref<1000000x128xf32, #tpu.memory_space<hbm>>
    tpu.enqueue_indirect_dma source(%dma_start3A_222 : memref<1000000x128xf32, #tpu.memory_space<hbm>>) target(%arg8 : memref<128x128xf32, #tpu.memory_space<vmem>>) offsets(%dma_start3A_219 : memref<128xi32, #tpu.memory_space<vmem>>) semaphore(%arg12 : memref<!tpu.dma_semaphore, #tpu.memory_space<semaphore_mem>>)
    %dma_wait3A_223 = arith.constant 9 : i32
    %dma_wait3A_224 = arith.constant 0 : i32
    %dma_wait3A_225 = tpu.memref_slice %arg5[%dma_wait3A_223, %dma_wait3A_224] : memref<26x128xi32, #tpu.memory_space<vmem>> -> memref<1x128xi32, #tpu.memory_space<vmem>>
    %dma_wait3A_226 = tpu.memref_squeeze %dma_wait3A_225 : memref<1x128xi32, #tpu.memory_space<vmem>> -> memref<128xi32, #tpu.memory_space<vmem>>
    %dma_wait3A_227 = arith.constant 0 : i32
    %dma_wait3A_228 = arith.constant 0 : i32
    %dma_wait3A_229 = tpu.memref_slice %arg2[%dma_wait3A_227, %dma_wait3A_228] : memref<1000000x128xf32, #tpu.memory_space<hbm>> -> memref<1000000x128xf32, #tpu.memory_space<hbm>>
    tpu.wait_indirect_dma semaphore(%arg11 : memref<!tpu.dma_semaphore, #tpu.memory_space<semaphore_mem>>) src(%dma_wait3A_229 : memref<1000000x128xf32, #tpu.memory_space<hbm>>) dst(%arg7 : memref<128x128xf32, #tpu.memory_space<vmem>>)
    %add3A_230 = arith.constant 1152 : i32
    %add3A_231 = arith.addi %mul3A_2, %add3A_230 : i32
    %dma_start3A_232 = arith.constant 0 : i32
    %dma_start3A_233 = tpu.memref_slice %arg4[%add3A_231, %dma_start3A_232] : memref<106496x128xf32, #tpu.memory_space<hbm>> -> memref<128x128xf32, #tpu.memory_space<hbm>>
    %dma_start3A_234 = arith.constant 0 : i32
    %dma_start3A_235 = tpu.memref_slice %arg4[%add3A_231, %dma_start3A_234] : memref<106496x128xf32, #tpu.memory_space<hbm>> -> memref<128x128xf32, #tpu.memory_space<hbm>>
    tpu.enqueue_dma source(%arg7 : memref<128x128xf32, #tpu.memory_space<vmem>>) target(%dma_start3A_235 : memref<128x128xf32, #tpu.memory_space<hbm>>) target_semaphore(%arg15 : memref<!tpu.dma_semaphore, #tpu.memory_space<semaphore_mem>>)
    %dma_wait3A_236 = arith.constant 0 : i32
    %dma_wait3A_237 = tpu.memref_slice %arg4[%add3A_183, %dma_wait3A_236] : memref<106496x128xf32, #tpu.memory_space<hbm>> -> memref<128x128xf32, #tpu.memory_space<hbm>>
    %dma_wait3A_238 = arith.constant 0 : i32
    %dma_wait3A_239 = tpu.memref_slice %arg4[%add3A_183, %dma_wait3A_238] : memref<106496x128xf32, #tpu.memory_space<hbm>> -> memref<128x128xf32, #tpu.memory_space<hbm>>
    tpu.wait_dma2 semaphore(%arg17 : memref<!tpu.dma_semaphore, #tpu.memory_space<semaphore_mem>>) src(%arg9 : memref<128x128xf32, #tpu.memory_space<vmem>>) dst(%dma_wait3A_239 : memref<128x128xf32, #tpu.memory_space<hbm>>)
    %dma_start3A_240 = arith.constant 11 : i32
    %dma_start3A_241 = arith.constant 0 : i32
    %dma_start3A_242 = tpu.memref_slice %arg5[%dma_start3A_240, %dma_start3A_241] : memref<26x128xi32, #tpu.memory_space<vmem>> -> memref<1x128xi32, #tpu.memory_space<vmem>>
    %dma_start3A_243 = tpu.memref_squeeze %dma_start3A_242 : memref<1x128xi32, #tpu.memory_space<vmem>> -> memref<128xi32, #tpu.memory_space<vmem>>
    %dma_start3A_244 = arith.constant 0 : i32
    %dma_start3A_245 = arith.constant 0 : i32
    %dma_start3A_246 = tpu.memref_slice %arg2[%dma_start3A_244, %dma_start3A_245] : memref<1000000x128xf32, #tpu.memory_space<hbm>> -> memref<1000000x128xf32, #tpu.memory_space<hbm>>
    tpu.enqueue_indirect_dma source(%dma_start3A_246 : memref<1000000x128xf32, #tpu.memory_space<hbm>>) target(%arg9 : memref<128x128xf32, #tpu.memory_space<vmem>>) offsets(%dma_start3A_243 : memref<128xi32, #tpu.memory_space<vmem>>) semaphore(%arg13 : memref<!tpu.dma_semaphore, #tpu.memory_space<semaphore_mem>>)
    %dma_wait3A_247 = arith.constant 10 : i32
    %dma_wait3A_248 = arith.constant 0 : i32
    %dma_wait3A_249 = tpu.memref_slice %arg5[%dma_wait3A_247, %dma_wait3A_248] : memref<26x128xi32, #tpu.memory_space<vmem>> -> memref<1x128xi32, #tpu.memory_space<vmem>>
    %dma_wait3A_250 = tpu.memref_squeeze %dma_wait3A_249 : memref<1x128xi32, #tpu.memory_space<vmem>> -> memref<128xi32, #tpu.memory_space<vmem>>
    %dma_wait3A_251 = arith.constant 0 : i32
    %dma_wait3A_252 = arith.constant 0 : i32
    %dma_wait3A_253 = tpu.memref_slice %arg2[%dma_wait3A_251, %dma_wait3A_252] : memref<1000000x128xf32, #tpu.memory_space<hbm>> -> memref<1000000x128xf32, #tpu.memory_space<hbm>>
    tpu.wait_indirect_dma semaphore(%arg12 : memref<!tpu.dma_semaphore, #tpu.memory_space<semaphore_mem>>) src(%dma_wait3A_253 : memref<1000000x128xf32, #tpu.memory_space<hbm>>) dst(%arg8 : memref<128x128xf32, #tpu.memory_space<vmem>>)
    %add3A_254 = arith.constant 1280 : i32
    %add3A_255 = arith.addi %mul3A_2, %add3A_254 : i32
    %dma_start3A_256 = arith.constant 0 : i32
    %dma_start3A_257 = tpu.memref_slice %arg4[%add3A_255, %dma_start3A_256] : memref<106496x128xf32, #tpu.memory_space<hbm>> -> memref<128x128xf32, #tpu.memory_space<hbm>>
    %dma_start3A_258 = arith.constant 0 : i32
    %dma_start3A_259 = tpu.memref_slice %arg4[%add3A_255, %dma_start3A_258] : memref<106496x128xf32, #tpu.memory_space<hbm>> -> memref<128x128xf32, #tpu.memory_space<hbm>>
    tpu.enqueue_dma source(%arg8 : memref<128x128xf32, #tpu.memory_space<vmem>>) target(%dma_start3A_259 : memref<128x128xf32, #tpu.memory_space<hbm>>) target_semaphore(%arg16 : memref<!tpu.dma_semaphore, #tpu.memory_space<semaphore_mem>>)
    %dma_wait3A_260 = arith.constant 0 : i32
    %dma_wait3A_261 = tpu.memref_slice %arg4[%add3A_207, %dma_wait3A_260] : memref<106496x128xf32, #tpu.memory_space<hbm>> -> memref<128x128xf32, #tpu.memory_space<hbm>>
    %dma_wait3A_262 = arith.constant 0 : i32
    %dma_wait3A_263 = tpu.memref_slice %arg4[%add3A_207, %dma_wait3A_262] : memref<106496x128xf32, #tpu.memory_space<hbm>> -> memref<128x128xf32, #tpu.memory_space<hbm>>
    tpu.wait_dma2 semaphore(%arg14 : memref<!tpu.dma_semaphore, #tpu.memory_space<semaphore_mem>>) src(%arg6 : memref<128x128xf32, #tpu.memory_space<vmem>>) dst(%dma_wait3A_263 : memref<128x128xf32, #tpu.memory_space<hbm>>)
    %dma_start3A_264 = arith.constant 12 : i32
    %dma_start3A_265 = arith.constant 0 : i32
    %dma_start3A_266 = tpu.memref_slice %arg5[%dma_start3A_264, %dma_start3A_265] : memref<26x128xi32, #tpu.memory_space<vmem>> -> memref<1x128xi32, #tpu.memory_space<vmem>>
    %dma_start3A_267 = tpu.memref_squeeze %dma_start3A_266 : memref<1x128xi32, #tpu.memory_space<vmem>> -> memref<128xi32, #tpu.memory_space<vmem>>
    %dma_start3A_268 = arith.constant 0 : i32
    %dma_start3A_269 = arith.constant 0 : i32
    %dma_start3A_270 = tpu.memref_slice %arg2[%dma_start3A_268, %dma_start3A_269] : memref<1000000x128xf32, #tpu.memory_space<hbm>> -> memref<1000000x128xf32, #tpu.memory_space<hbm>>
    tpu.enqueue_indirect_dma source(%dma_start3A_270 : memref<1000000x128xf32, #tpu.memory_space<hbm>>) target(%arg6 : memref<128x128xf32, #tpu.memory_space<vmem>>) offsets(%dma_start3A_267 : memref<128xi32, #tpu.memory_space<vmem>>) semaphore(%arg10 : memref<!tpu.dma_semaphore, #tpu.memory_space<semaphore_mem>>)
    %dma_wait3A_271 = arith.constant 11 : i32
    %dma_wait3A_272 = arith.constant 0 : i32
    %dma_wait3A_273 = tpu.memref_slice %arg5[%dma_wait3A_271, %dma_wait3A_272] : memref<26x128xi32, #tpu.memory_space<vmem>> -> memref<1x128xi32, #tpu.memory_space<vmem>>
    %dma_wait3A_274 = tpu.memref_squeeze %dma_wait3A_273 : memref<1x128xi32, #tpu.memory_space<vmem>> -> memref<128xi32, #tpu.memory_space<vmem>>
    %dma_wait3A_275 = arith.constant 0 : i32
    %dma_wait3A_276 = arith.constant 0 : i32
    %dma_wait3A_277 = tpu.memref_slice %arg2[%dma_wait3A_275, %dma_wait3A_276] : memref<1000000x128xf32, #tpu.memory_space<hbm>> -> memref<1000000x128xf32, #tpu.memory_space<hbm>>
    tpu.wait_indirect_dma semaphore(%arg13 : memref<!tpu.dma_semaphore, #tpu.memory_space<semaphore_mem>>) src(%dma_wait3A_277 : memref<1000000x128xf32, #tpu.memory_space<hbm>>) dst(%arg9 : memref<128x128xf32, #tpu.memory_space<vmem>>)
    %add3A_278 = arith.constant 1408 : i32
    %add3A_279 = arith.addi %mul3A_2, %add3A_278 : i32
    %dma_start3A_280 = arith.constant 0 : i32
    %dma_start3A_281 = tpu.memref_slice %arg4[%add3A_279, %dma_start3A_280] : memref<106496x128xf32, #tpu.memory_space<hbm>> -> memref<128x128xf32, #tpu.memory_space<hbm>>
    %dma_start3A_282 = arith.constant 0 : i32
    %dma_start3A_283 = tpu.memref_slice %arg4[%add3A_279, %dma_start3A_282] : memref<106496x128xf32, #tpu.memory_space<hbm>> -> memref<128x128xf32, #tpu.memory_space<hbm>>
    tpu.enqueue_dma source(%arg9 : memref<128x128xf32, #tpu.memory_space<vmem>>) target(%dma_start3A_283 : memref<128x128xf32, #tpu.memory_space<hbm>>) target_semaphore(%arg17 : memref<!tpu.dma_semaphore, #tpu.memory_space<semaphore_mem>>)
    %dma_wait3A_284 = arith.constant 0 : i32
    %dma_wait3A_285 = tpu.memref_slice %arg4[%add3A_231, %dma_wait3A_284] : memref<106496x128xf32, #tpu.memory_space<hbm>> -> memref<128x128xf32, #tpu.memory_space<hbm>>
    %dma_wait3A_286 = arith.constant 0 : i32
    %dma_wait3A_287 = tpu.memref_slice %arg4[%add3A_231, %dma_wait3A_286] : memref<106496x128xf32, #tpu.memory_space<hbm>> -> memref<128x128xf32, #tpu.memory_space<hbm>>
    tpu.wait_dma2 semaphore(%arg15 : memref<!tpu.dma_semaphore, #tpu.memory_space<semaphore_mem>>) src(%arg7 : memref<128x128xf32, #tpu.memory_space<vmem>>) dst(%dma_wait3A_287 : memref<128x128xf32, #tpu.memory_space<hbm>>)
    %dma_start3A_288 = arith.constant 13 : i32
    %dma_start3A_289 = arith.constant 0 : i32
    %dma_start3A_290 = tpu.memref_slice %arg5[%dma_start3A_288, %dma_start3A_289] : memref<26x128xi32, #tpu.memory_space<vmem>> -> memref<1x128xi32, #tpu.memory_space<vmem>>
    %dma_start3A_291 = tpu.memref_squeeze %dma_start3A_290 : memref<1x128xi32, #tpu.memory_space<vmem>> -> memref<128xi32, #tpu.memory_space<vmem>>
    %dma_start3A_292 = arith.constant 0 : i32
    %dma_start3A_293 = arith.constant 0 : i32
    %dma_start3A_294 = tpu.memref_slice %arg2[%dma_start3A_292, %dma_start3A_293] : memref<1000000x128xf32, #tpu.memory_space<hbm>> -> memref<1000000x128xf32, #tpu.memory_space<hbm>>
    tpu.enqueue_indirect_dma source(%dma_start3A_294 : memref<1000000x128xf32, #tpu.memory_space<hbm>>) target(%arg7 : memref<128x128xf32, #tpu.memory_space<vmem>>) offsets(%dma_start3A_291 : memref<128xi32, #tpu.memory_space<vmem>>) semaphore(%arg11 : memref<!tpu.dma_semaphore, #tpu.memory_space<semaphore_mem>>)
    %dma_wait3A_295 = arith.constant 12 : i32
    %dma_wait3A_296 = arith.constant 0 : i32
    %dma_wait3A_297 = tpu.memref_slice %arg5[%dma_wait3A_295, %dma_wait3A_296] : memref<26x128xi32, #tpu.memory_space<vmem>> -> memref<1x128xi32, #tpu.memory_space<vmem>>
    %dma_wait3A_298 = tpu.memref_squeeze %dma_wait3A_297 : memref<1x128xi32, #tpu.memory_space<vmem>> -> memref<128xi32, #tpu.memory_space<vmem>>
    %dma_wait3A_299 = arith.constant 0 : i32
    %dma_wait3A_300 = arith.constant 0 : i32
    %dma_wait3A_301 = tpu.memref_slice %arg2[%dma_wait3A_299, %dma_wait3A_300] : memref<1000000x128xf32, #tpu.memory_space<hbm>> -> memref<1000000x128xf32, #tpu.memory_space<hbm>>
    tpu.wait_indirect_dma semaphore(%arg10 : memref<!tpu.dma_semaphore, #tpu.memory_space<semaphore_mem>>) src(%dma_wait3A_301 : memref<1000000x128xf32, #tpu.memory_space<hbm>>) dst(%arg6 : memref<128x128xf32, #tpu.memory_space<vmem>>)
    %add3A_302 = arith.constant 1536 : i32
    %add3A_303 = arith.addi %mul3A_2, %add3A_302 : i32
    %dma_start3A_304 = arith.constant 0 : i32
    %dma_start3A_305 = tpu.memref_slice %arg4[%add3A_303, %dma_start3A_304] : memref<106496x128xf32, #tpu.memory_space<hbm>> -> memref<128x128xf32, #tpu.memory_space<hbm>>
    %dma_start3A_306 = arith.constant 0 : i32
    %dma_start3A_307 = tpu.memref_slice %arg4[%add3A_303, %dma_start3A_306] : memref<106496x128xf32, #tpu.memory_space<hbm>> -> memref<128x128xf32, #tpu.memory_space<hbm>>
    tpu.enqueue_dma source(%arg6 : memref<128x128xf32, #tpu.memory_space<vmem>>) target(%dma_start3A_307 : memref<128x128xf32, #tpu.memory_space<hbm>>) target_semaphore(%arg14 : memref<!tpu.dma_semaphore, #tpu.memory_space<semaphore_mem>>)
    %dma_wait3A_308 = arith.constant 0 : i32
    %dma_wait3A_309 = tpu.memref_slice %arg4[%add3A_255, %dma_wait3A_308] : memref<106496x128xf32, #tpu.memory_space<hbm>> -> memref<128x128xf32, #tpu.memory_space<hbm>>
    %dma_wait3A_310 = arith.constant 0 : i32
    %dma_wait3A_311 = tpu.memref_slice %arg4[%add3A_255, %dma_wait3A_310] : memref<106496x128xf32, #tpu.memory_space<hbm>> -> memref<128x128xf32, #tpu.memory_space<hbm>>
    tpu.wait_dma2 semaphore(%arg16 : memref<!tpu.dma_semaphore, #tpu.memory_space<semaphore_mem>>) src(%arg8 : memref<128x128xf32, #tpu.memory_space<vmem>>) dst(%dma_wait3A_311 : memref<128x128xf32, #tpu.memory_space<hbm>>)
    %dma_start3A_312 = arith.constant 14 : i32
    %dma_start3A_313 = arith.constant 0 : i32
    %dma_start3A_314 = tpu.memref_slice %arg5[%dma_start3A_312, %dma_start3A_313] : memref<26x128xi32, #tpu.memory_space<vmem>> -> memref<1x128xi32, #tpu.memory_space<vmem>>
    %dma_start3A_315 = tpu.memref_squeeze %dma_start3A_314 : memref<1x128xi32, #tpu.memory_space<vmem>> -> memref<128xi32, #tpu.memory_space<vmem>>
    %dma_start3A_316 = arith.constant 0 : i32
    %dma_start3A_317 = arith.constant 0 : i32
    %dma_start3A_318 = tpu.memref_slice %arg2[%dma_start3A_316, %dma_start3A_317] : memref<1000000x128xf32, #tpu.memory_space<hbm>> -> memref<1000000x128xf32, #tpu.memory_space<hbm>>
    tpu.enqueue_indirect_dma source(%dma_start3A_318 : memref<1000000x128xf32, #tpu.memory_space<hbm>>) target(%arg8 : memref<128x128xf32, #tpu.memory_space<vmem>>) offsets(%dma_start3A_315 : memref<128xi32, #tpu.memory_space<vmem>>) semaphore(%arg12 : memref<!tpu.dma_semaphore, #tpu.memory_space<semaphore_mem>>)
    %dma_wait3A_319 = arith.constant 13 : i32
    %dma_wait3A_320 = arith.constant 0 : i32
    %dma_wait3A_321 = tpu.memref_slice %arg5[%dma_wait3A_319, %dma_wait3A_320] : memref<26x128xi32, #tpu.memory_space<vmem>> -> memref<1x128xi32, #tpu.memory_space<vmem>>
    %dma_wait3A_322 = tpu.memref_squeeze %dma_wait3A_321 : memref<1x128xi32, #tpu.memory_space<vmem>> -> memref<128xi32, #tpu.memory_space<vmem>>
    %dma_wait3A_323 = arith.constant 0 : i32
    %dma_wait3A_324 = arith.constant 0 : i32
    %dma_wait3A_325 = tpu.memref_slice %arg2[%dma_wait3A_323, %dma_wait3A_324] : memref<1000000x128xf32, #tpu.memory_space<hbm>> -> memref<1000000x128xf32, #tpu.memory_space<hbm>>
    tpu.wait_indirect_dma semaphore(%arg11 : memref<!tpu.dma_semaphore, #tpu.memory_space<semaphore_mem>>) src(%dma_wait3A_325 : memref<1000000x128xf32, #tpu.memory_space<hbm>>) dst(%arg7 : memref<128x128xf32, #tpu.memory_space<vmem>>)
    %add3A_326 = arith.constant 1664 : i32
    %add3A_327 = arith.addi %mul3A_2, %add3A_326 : i32
    %dma_start3A_328 = arith.constant 0 : i32
    %dma_start3A_329 = tpu.memref_slice %arg4[%add3A_327, %dma_start3A_328] : memref<106496x128xf32, #tpu.memory_space<hbm>> -> memref<128x128xf32, #tpu.memory_space<hbm>>
    %dma_start3A_330 = arith.constant 0 : i32
    %dma_start3A_331 = tpu.memref_slice %arg4[%add3A_327, %dma_start3A_330] : memref<106496x128xf32, #tpu.memory_space<hbm>> -> memref<128x128xf32, #tpu.memory_space<hbm>>
    tpu.enqueue_dma source(%arg7 : memref<128x128xf32, #tpu.memory_space<vmem>>) target(%dma_start3A_331 : memref<128x128xf32, #tpu.memory_space<hbm>>) target_semaphore(%arg15 : memref<!tpu.dma_semaphore, #tpu.memory_space<semaphore_mem>>)
    %dma_wait3A_332 = arith.constant 0 : i32
    %dma_wait3A_333 = tpu.memref_slice %arg4[%add3A_279, %dma_wait3A_332] : memref<106496x128xf32, #tpu.memory_space<hbm>> -> memref<128x128xf32, #tpu.memory_space<hbm>>
    %dma_wait3A_334 = arith.constant 0 : i32
    %dma_wait3A_335 = tpu.memref_slice %arg4[%add3A_279, %dma_wait3A_334] : memref<106496x128xf32, #tpu.memory_space<hbm>> -> memref<128x128xf32, #tpu.memory_space<hbm>>
    tpu.wait_dma2 semaphore(%arg17 : memref<!tpu.dma_semaphore, #tpu.memory_space<semaphore_mem>>) src(%arg9 : memref<128x128xf32, #tpu.memory_space<vmem>>) dst(%dma_wait3A_335 : memref<128x128xf32, #tpu.memory_space<hbm>>)
    %dma_start3A_336 = arith.constant 15 : i32
    %dma_start3A_337 = arith.constant 0 : i32
    %dma_start3A_338 = tpu.memref_slice %arg5[%dma_start3A_336, %dma_start3A_337] : memref<26x128xi32, #tpu.memory_space<vmem>> -> memref<1x128xi32, #tpu.memory_space<vmem>>
    %dma_start3A_339 = tpu.memref_squeeze %dma_start3A_338 : memref<1x128xi32, #tpu.memory_space<vmem>> -> memref<128xi32, #tpu.memory_space<vmem>>
    %dma_start3A_340 = arith.constant 0 : i32
    %dma_start3A_341 = arith.constant 0 : i32
    %dma_start3A_342 = tpu.memref_slice %arg2[%dma_start3A_340, %dma_start3A_341] : memref<1000000x128xf32, #tpu.memory_space<hbm>> -> memref<1000000x128xf32, #tpu.memory_space<hbm>>
    tpu.enqueue_indirect_dma source(%dma_start3A_342 : memref<1000000x128xf32, #tpu.memory_space<hbm>>) target(%arg9 : memref<128x128xf32, #tpu.memory_space<vmem>>) offsets(%dma_start3A_339 : memref<128xi32, #tpu.memory_space<vmem>>) semaphore(%arg13 : memref<!tpu.dma_semaphore, #tpu.memory_space<semaphore_mem>>)
    %dma_wait3A_343 = arith.constant 14 : i32
    %dma_wait3A_344 = arith.constant 0 : i32
    %dma_wait3A_345 = tpu.memref_slice %arg5[%dma_wait3A_343, %dma_wait3A_344] : memref<26x128xi32, #tpu.memory_space<vmem>> -> memref<1x128xi32, #tpu.memory_space<vmem>>
    %dma_wait3A_346 = tpu.memref_squeeze %dma_wait3A_345 : memref<1x128xi32, #tpu.memory_space<vmem>> -> memref<128xi32, #tpu.memory_space<vmem>>
    %dma_wait3A_347 = arith.constant 0 : i32
    %dma_wait3A_348 = arith.constant 0 : i32
    %dma_wait3A_349 = tpu.memref_slice %arg2[%dma_wait3A_347, %dma_wait3A_348] : memref<1000000x128xf32, #tpu.memory_space<hbm>> -> memref<1000000x128xf32, #tpu.memory_space<hbm>>
    tpu.wait_indirect_dma semaphore(%arg12 : memref<!tpu.dma_semaphore, #tpu.memory_space<semaphore_mem>>) src(%dma_wait3A_349 : memref<1000000x128xf32, #tpu.memory_space<hbm>>) dst(%arg8 : memref<128x128xf32, #tpu.memory_space<vmem>>)
    %add3A_350 = arith.constant 1792 : i32
    %add3A_351 = arith.addi %mul3A_2, %add3A_350 : i32
    %dma_start3A_352 = arith.constant 0 : i32
    %dma_start3A_353 = tpu.memref_slice %arg4[%add3A_351, %dma_start3A_352] : memref<106496x128xf32, #tpu.memory_space<hbm>> -> memref<128x128xf32, #tpu.memory_space<hbm>>
    %dma_start3A_354 = arith.constant 0 : i32
    %dma_start3A_355 = tpu.memref_slice %arg4[%add3A_351, %dma_start3A_354] : memref<106496x128xf32, #tpu.memory_space<hbm>> -> memref<128x128xf32, #tpu.memory_space<hbm>>
    tpu.enqueue_dma source(%arg8 : memref<128x128xf32, #tpu.memory_space<vmem>>) target(%dma_start3A_355 : memref<128x128xf32, #tpu.memory_space<hbm>>) target_semaphore(%arg16 : memref<!tpu.dma_semaphore, #tpu.memory_space<semaphore_mem>>)
    %dma_wait3A_356 = arith.constant 0 : i32
    %dma_wait3A_357 = tpu.memref_slice %arg4[%add3A_303, %dma_wait3A_356] : memref<106496x128xf32, #tpu.memory_space<hbm>> -> memref<128x128xf32, #tpu.memory_space<hbm>>
    %dma_wait3A_358 = arith.constant 0 : i32
    %dma_wait3A_359 = tpu.memref_slice %arg4[%add3A_303, %dma_wait3A_358] : memref<106496x128xf32, #tpu.memory_space<hbm>> -> memref<128x128xf32, #tpu.memory_space<hbm>>
    tpu.wait_dma2 semaphore(%arg14 : memref<!tpu.dma_semaphore, #tpu.memory_space<semaphore_mem>>) src(%arg6 : memref<128x128xf32, #tpu.memory_space<vmem>>) dst(%dma_wait3A_359 : memref<128x128xf32, #tpu.memory_space<hbm>>)
    %dma_start3A_360 = arith.constant 16 : i32
    %dma_start3A_361 = arith.constant 0 : i32
    %dma_start3A_362 = tpu.memref_slice %arg5[%dma_start3A_360, %dma_start3A_361] : memref<26x128xi32, #tpu.memory_space<vmem>> -> memref<1x128xi32, #tpu.memory_space<vmem>>
    %dma_start3A_363 = tpu.memref_squeeze %dma_start3A_362 : memref<1x128xi32, #tpu.memory_space<vmem>> -> memref<128xi32, #tpu.memory_space<vmem>>
    %dma_start3A_364 = arith.constant 0 : i32
    %dma_start3A_365 = arith.constant 0 : i32
    %dma_start3A_366 = tpu.memref_slice %arg2[%dma_start3A_364, %dma_start3A_365] : memref<1000000x128xf32, #tpu.memory_space<hbm>> -> memref<1000000x128xf32, #tpu.memory_space<hbm>>
    tpu.enqueue_indirect_dma source(%dma_start3A_366 : memref<1000000x128xf32, #tpu.memory_space<hbm>>) target(%arg6 : memref<128x128xf32, #tpu.memory_space<vmem>>) offsets(%dma_start3A_363 : memref<128xi32, #tpu.memory_space<vmem>>) semaphore(%arg10 : memref<!tpu.dma_semaphore, #tpu.memory_space<semaphore_mem>>)
    %dma_wait3A_367 = arith.constant 15 : i32
    %dma_wait3A_368 = arith.constant 0 : i32
    %dma_wait3A_369 = tpu.memref_slice %arg5[%dma_wait3A_367, %dma_wait3A_368] : memref<26x128xi32, #tpu.memory_space<vmem>> -> memref<1x128xi32, #tpu.memory_space<vmem>>
    %dma_wait3A_370 = tpu.memref_squeeze %dma_wait3A_369 : memref<1x128xi32, #tpu.memory_space<vmem>> -> memref<128xi32, #tpu.memory_space<vmem>>
    %dma_wait3A_371 = arith.constant 0 : i32
    %dma_wait3A_372 = arith.constant 0 : i32
    %dma_wait3A_373 = tpu.memref_slice %arg2[%dma_wait3A_371, %dma_wait3A_372] : memref<1000000x128xf32, #tpu.memory_space<hbm>> -> memref<1000000x128xf32, #tpu.memory_space<hbm>>
    tpu.wait_indirect_dma semaphore(%arg13 : memref<!tpu.dma_semaphore, #tpu.memory_space<semaphore_mem>>) src(%dma_wait3A_373 : memref<1000000x128xf32, #tpu.memory_space<hbm>>) dst(%arg9 : memref<128x128xf32, #tpu.memory_space<vmem>>)
    %add3A_374 = arith.constant 1920 : i32
    %add3A_375 = arith.addi %mul3A_2, %add3A_374 : i32
    %dma_start3A_376 = arith.constant 0 : i32
    %dma_start3A_377 = tpu.memref_slice %arg4[%add3A_375, %dma_start3A_376] : memref<106496x128xf32, #tpu.memory_space<hbm>> -> memref<128x128xf32, #tpu.memory_space<hbm>>
    %dma_start3A_378 = arith.constant 0 : i32
    %dma_start3A_379 = tpu.memref_slice %arg4[%add3A_375, %dma_start3A_378] : memref<106496x128xf32, #tpu.memory_space<hbm>> -> memref<128x128xf32, #tpu.memory_space<hbm>>
    tpu.enqueue_dma source(%arg9 : memref<128x128xf32, #tpu.memory_space<vmem>>) target(%dma_start3A_379 : memref<128x128xf32, #tpu.memory_space<hbm>>) target_semaphore(%arg17 : memref<!tpu.dma_semaphore, #tpu.memory_space<semaphore_mem>>)
    %dma_wait3A_380 = arith.constant 0 : i32
    %dma_wait3A_381 = tpu.memref_slice %arg4[%add3A_327, %dma_wait3A_380] : memref<106496x128xf32, #tpu.memory_space<hbm>> -> memref<128x128xf32, #tpu.memory_space<hbm>>
    %dma_wait3A_382 = arith.constant 0 : i32
    %dma_wait3A_383 = tpu.memref_slice %arg4[%add3A_327, %dma_wait3A_382] : memref<106496x128xf32, #tpu.memory_space<hbm>> -> memref<128x128xf32, #tpu.memory_space<hbm>>
    tpu.wait_dma2 semaphore(%arg15 : memref<!tpu.dma_semaphore, #tpu.memory_space<semaphore_mem>>) src(%arg7 : memref<128x128xf32, #tpu.memory_space<vmem>>) dst(%dma_wait3A_383 : memref<128x128xf32, #tpu.memory_space<hbm>>)
    %dma_start3A_384 = arith.constant 17 : i32
    %dma_start3A_385 = arith.constant 0 : i32
    %dma_start3A_386 = tpu.memref_slice %arg5[%dma_start3A_384, %dma_start3A_385] : memref<26x128xi32, #tpu.memory_space<vmem>> -> memref<1x128xi32, #tpu.memory_space<vmem>>
    %dma_start3A_387 = tpu.memref_squeeze %dma_start3A_386 : memref<1x128xi32, #tpu.memory_space<vmem>> -> memref<128xi32, #tpu.memory_space<vmem>>
    %dma_start3A_388 = arith.constant 0 : i32
    %dma_start3A_389 = arith.constant 0 : i32
    %dma_start3A_390 = tpu.memref_slice %arg2[%dma_start3A_388, %dma_start3A_389] : memref<1000000x128xf32, #tpu.memory_space<hbm>> -> memref<1000000x128xf32, #tpu.memory_space<hbm>>
    tpu.enqueue_indirect_dma source(%dma_start3A_390 : memref<1000000x128xf32, #tpu.memory_space<hbm>>) target(%arg7 : memref<128x128xf32, #tpu.memory_space<vmem>>) offsets(%dma_start3A_387 : memref<128xi32, #tpu.memory_space<vmem>>) semaphore(%arg11 : memref<!tpu.dma_semaphore, #tpu.memory_space<semaphore_mem>>)
    %dma_wait3A_391 = arith.constant 16 : i32
    %dma_wait3A_392 = arith.constant 0 : i32
    %dma_wait3A_393 = tpu.memref_slice %arg5[%dma_wait3A_391, %dma_wait3A_392] : memref<26x128xi32, #tpu.memory_space<vmem>> -> memref<1x128xi32, #tpu.memory_space<vmem>>
    %dma_wait3A_394 = tpu.memref_squeeze %dma_wait3A_393 : memref<1x128xi32, #tpu.memory_space<vmem>> -> memref<128xi32, #tpu.memory_space<vmem>>
    %dma_wait3A_395 = arith.constant 0 : i32
    %dma_wait3A_396 = arith.constant 0 : i32
    %dma_wait3A_397 = tpu.memref_slice %arg2[%dma_wait3A_395, %dma_wait3A_396] : memref<1000000x128xf32, #tpu.memory_space<hbm>> -> memref<1000000x128xf32, #tpu.memory_space<hbm>>
    tpu.wait_indirect_dma semaphore(%arg10 : memref<!tpu.dma_semaphore, #tpu.memory_space<semaphore_mem>>) src(%dma_wait3A_397 : memref<1000000x128xf32, #tpu.memory_space<hbm>>) dst(%arg6 : memref<128x128xf32, #tpu.memory_space<vmem>>)
    %add3A_398 = arith.constant 2048 : i32
    %add3A_399 = arith.addi %mul3A_2, %add3A_398 : i32
    %dma_start3A_400 = arith.constant 0 : i32
    %dma_start3A_401 = tpu.memref_slice %arg4[%add3A_399, %dma_start3A_400] : memref<106496x128xf32, #tpu.memory_space<hbm>> -> memref<128x128xf32, #tpu.memory_space<hbm>>
    %dma_start3A_402 = arith.constant 0 : i32
    %dma_start3A_403 = tpu.memref_slice %arg4[%add3A_399, %dma_start3A_402] : memref<106496x128xf32, #tpu.memory_space<hbm>> -> memref<128x128xf32, #tpu.memory_space<hbm>>
    tpu.enqueue_dma source(%arg6 : memref<128x128xf32, #tpu.memory_space<vmem>>) target(%dma_start3A_403 : memref<128x128xf32, #tpu.memory_space<hbm>>) target_semaphore(%arg14 : memref<!tpu.dma_semaphore, #tpu.memory_space<semaphore_mem>>)
    %dma_wait3A_404 = arith.constant 0 : i32
    %dma_wait3A_405 = tpu.memref_slice %arg4[%add3A_351, %dma_wait3A_404] : memref<106496x128xf32, #tpu.memory_space<hbm>> -> memref<128x128xf32, #tpu.memory_space<hbm>>
    %dma_wait3A_406 = arith.constant 0 : i32
    %dma_wait3A_407 = tpu.memref_slice %arg4[%add3A_351, %dma_wait3A_406] : memref<106496x128xf32, #tpu.memory_space<hbm>> -> memref<128x128xf32, #tpu.memory_space<hbm>>
    tpu.wait_dma2 semaphore(%arg16 : memref<!tpu.dma_semaphore, #tpu.memory_space<semaphore_mem>>) src(%arg8 : memref<128x128xf32, #tpu.memory_space<vmem>>) dst(%dma_wait3A_407 : memref<128x128xf32, #tpu.memory_space<hbm>>)
    %dma_start3A_408 = arith.constant 18 : i32
    %dma_start3A_409 = arith.constant 0 : i32
    %dma_start3A_410 = tpu.memref_slice %arg5[%dma_start3A_408, %dma_start3A_409] : memref<26x128xi32, #tpu.memory_space<vmem>> -> memref<1x128xi32, #tpu.memory_space<vmem>>
    %dma_start3A_411 = tpu.memref_squeeze %dma_start3A_410 : memref<1x128xi32, #tpu.memory_space<vmem>> -> memref<128xi32, #tpu.memory_space<vmem>>
    %dma_start3A_412 = arith.constant 0 : i32
    %dma_start3A_413 = arith.constant 0 : i32
    %dma_start3A_414 = tpu.memref_slice %arg2[%dma_start3A_412, %dma_start3A_413] : memref<1000000x128xf32, #tpu.memory_space<hbm>> -> memref<1000000x128xf32, #tpu.memory_space<hbm>>
    tpu.enqueue_indirect_dma source(%dma_start3A_414 : memref<1000000x128xf32, #tpu.memory_space<hbm>>) target(%arg8 : memref<128x128xf32, #tpu.memory_space<vmem>>) offsets(%dma_start3A_411 : memref<128xi32, #tpu.memory_space<vmem>>) semaphore(%arg12 : memref<!tpu.dma_semaphore, #tpu.memory_space<semaphore_mem>>)
    %dma_wait3A_415 = arith.constant 17 : i32
    %dma_wait3A_416 = arith.constant 0 : i32
    %dma_wait3A_417 = tpu.memref_slice %arg5[%dma_wait3A_415, %dma_wait3A_416] : memref<26x128xi32, #tpu.memory_space<vmem>> -> memref<1x128xi32, #tpu.memory_space<vmem>>
    %dma_wait3A_418 = tpu.memref_squeeze %dma_wait3A_417 : memref<1x128xi32, #tpu.memory_space<vmem>> -> memref<128xi32, #tpu.memory_space<vmem>>
    %dma_wait3A_419 = arith.constant 0 : i32
    %dma_wait3A_420 = arith.constant 0 : i32
    %dma_wait3A_421 = tpu.memref_slice %arg2[%dma_wait3A_419, %dma_wait3A_420] : memref<1000000x128xf32, #tpu.memory_space<hbm>> -> memref<1000000x128xf32, #tpu.memory_space<hbm>>
    tpu.wait_indirect_dma semaphore(%arg11 : memref<!tpu.dma_semaphore, #tpu.memory_space<semaphore_mem>>) src(%dma_wait3A_421 : memref<1000000x128xf32, #tpu.memory_space<hbm>>) dst(%arg7 : memref<128x128xf32, #tpu.memory_space<vmem>>)
    %add3A_422 = arith.constant 2176 : i32
    %add3A_423 = arith.addi %mul3A_2, %add3A_422 : i32
    %dma_start3A_424 = arith.constant 0 : i32
    %dma_start3A_425 = tpu.memref_slice %arg4[%add3A_423, %dma_start3A_424] : memref<106496x128xf32, #tpu.memory_space<hbm>> -> memref<128x128xf32, #tpu.memory_space<hbm>>
    %dma_start3A_426 = arith.constant 0 : i32
    %dma_start3A_427 = tpu.memref_slice %arg4[%add3A_423, %dma_start3A_426] : memref<106496x128xf32, #tpu.memory_space<hbm>> -> memref<128x128xf32, #tpu.memory_space<hbm>>
    tpu.enqueue_dma source(%arg7 : memref<128x128xf32, #tpu.memory_space<vmem>>) target(%dma_start3A_427 : memref<128x128xf32, #tpu.memory_space<hbm>>) target_semaphore(%arg15 : memref<!tpu.dma_semaphore, #tpu.memory_space<semaphore_mem>>)
    %dma_wait3A_428 = arith.constant 0 : i32
    %dma_wait3A_429 = tpu.memref_slice %arg4[%add3A_375, %dma_wait3A_428] : memref<106496x128xf32, #tpu.memory_space<hbm>> -> memref<128x128xf32, #tpu.memory_space<hbm>>
    %dma_wait3A_430 = arith.constant 0 : i32
    %dma_wait3A_431 = tpu.memref_slice %arg4[%add3A_375, %dma_wait3A_430] : memref<106496x128xf32, #tpu.memory_space<hbm>> -> memref<128x128xf32, #tpu.memory_space<hbm>>
    tpu.wait_dma2 semaphore(%arg17 : memref<!tpu.dma_semaphore, #tpu.memory_space<semaphore_mem>>) src(%arg9 : memref<128x128xf32, #tpu.memory_space<vmem>>) dst(%dma_wait3A_431 : memref<128x128xf32, #tpu.memory_space<hbm>>)
    %dma_start3A_432 = arith.constant 19 : i32
    %dma_start3A_433 = arith.constant 0 : i32
    %dma_start3A_434 = tpu.memref_slice %arg5[%dma_start3A_432, %dma_start3A_433] : memref<26x128xi32, #tpu.memory_space<vmem>> -> memref<1x128xi32, #tpu.memory_space<vmem>>
    %dma_start3A_435 = tpu.memref_squeeze %dma_start3A_434 : memref<1x128xi32, #tpu.memory_space<vmem>> -> memref<128xi32, #tpu.memory_space<vmem>>
    %dma_start3A_436 = arith.constant 0 : i32
    %dma_start3A_437 = arith.constant 0 : i32
    %dma_start3A_438 = tpu.memref_slice %arg2[%dma_start3A_436, %dma_start3A_437] : memref<1000000x128xf32, #tpu.memory_space<hbm>> -> memref<1000000x128xf32, #tpu.memory_space<hbm>>
    tpu.enqueue_indirect_dma source(%dma_start3A_438 : memref<1000000x128xf32, #tpu.memory_space<hbm>>) target(%arg9 : memref<128x128xf32, #tpu.memory_space<vmem>>) offsets(%dma_start3A_435 : memref<128xi32, #tpu.memory_space<vmem>>) semaphore(%arg13 : memref<!tpu.dma_semaphore, #tpu.memory_space<semaphore_mem>>)
    %dma_wait3A_439 = arith.constant 18 : i32
    %dma_wait3A_440 = arith.constant 0 : i32
    %dma_wait3A_441 = tpu.memref_slice %arg5[%dma_wait3A_439, %dma_wait3A_440] : memref<26x128xi32, #tpu.memory_space<vmem>> -> memref<1x128xi32, #tpu.memory_space<vmem>>
    %dma_wait3A_442 = tpu.memref_squeeze %dma_wait3A_441 : memref<1x128xi32, #tpu.memory_space<vmem>> -> memref<128xi32, #tpu.memory_space<vmem>>
    %dma_wait3A_443 = arith.constant 0 : i32
    %dma_wait3A_444 = arith.constant 0 : i32
    %dma_wait3A_445 = tpu.memref_slice %arg2[%dma_wait3A_443, %dma_wait3A_444] : memref<1000000x128xf32, #tpu.memory_space<hbm>> -> memref<1000000x128xf32, #tpu.memory_space<hbm>>
    tpu.wait_indirect_dma semaphore(%arg12 : memref<!tpu.dma_semaphore, #tpu.memory_space<semaphore_mem>>) src(%dma_wait3A_445 : memref<1000000x128xf32, #tpu.memory_space<hbm>>) dst(%arg8 : memref<128x128xf32, #tpu.memory_space<vmem>>)
    %add3A_446 = arith.constant 2304 : i32
    %add3A_447 = arith.addi %mul3A_2, %add3A_446 : i32
    %dma_start3A_448 = arith.constant 0 : i32
    %dma_start3A_449 = tpu.memref_slice %arg4[%add3A_447, %dma_start3A_448] : memref<106496x128xf32, #tpu.memory_space<hbm>> -> memref<128x128xf32, #tpu.memory_space<hbm>>
    %dma_start3A_450 = arith.constant 0 : i32
    %dma_start3A_451 = tpu.memref_slice %arg4[%add3A_447, %dma_start3A_450] : memref<106496x128xf32, #tpu.memory_space<hbm>> -> memref<128x128xf32, #tpu.memory_space<hbm>>
    tpu.enqueue_dma source(%arg8 : memref<128x128xf32, #tpu.memory_space<vmem>>) target(%dma_start3A_451 : memref<128x128xf32, #tpu.memory_space<hbm>>) target_semaphore(%arg16 : memref<!tpu.dma_semaphore, #tpu.memory_space<semaphore_mem>>)
    %dma_wait3A_452 = arith.constant 0 : i32
    %dma_wait3A_453 = tpu.memref_slice %arg4[%add3A_399, %dma_wait3A_452] : memref<106496x128xf32, #tpu.memory_space<hbm>> -> memref<128x128xf32, #tpu.memory_space<hbm>>
    %dma_wait3A_454 = arith.constant 0 : i32
    %dma_wait3A_455 = tpu.memref_slice %arg4[%add3A_399, %dma_wait3A_454] : memref<106496x128xf32, #tpu.memory_space<hbm>> -> memref<128x128xf32, #tpu.memory_space<hbm>>
    tpu.wait_dma2 semaphore(%arg14 : memref<!tpu.dma_semaphore, #tpu.memory_space<semaphore_mem>>) src(%arg6 : memref<128x128xf32, #tpu.memory_space<vmem>>) dst(%dma_wait3A_455 : memref<128x128xf32, #tpu.memory_space<hbm>>)
    %dma_start3A_456 = arith.constant 20 : i32
    %dma_start3A_457 = arith.constant 0 : i32
    %dma_start3A_458 = tpu.memref_slice %arg5[%dma_start3A_456, %dma_start3A_457] : memref<26x128xi32, #tpu.memory_space<vmem>> -> memref<1x128xi32, #tpu.memory_space<vmem>>
    %dma_start3A_459 = tpu.memref_squeeze %dma_start3A_458 : memref<1x128xi32, #tpu.memory_space<vmem>> -> memref<128xi32, #tpu.memory_space<vmem>>
    %dma_start3A_460 = arith.constant 0 : i32
    %dma_start3A_461 = arith.constant 0 : i32
    %dma_start3A_462 = tpu.memref_slice %arg2[%dma_start3A_460, %dma_start3A_461] : memref<1000000x128xf32, #tpu.memory_space<hbm>> -> memref<1000000x128xf32, #tpu.memory_space<hbm>>
    tpu.enqueue_indirect_dma source(%dma_start3A_462 : memref<1000000x128xf32, #tpu.memory_space<hbm>>) target(%arg6 : memref<128x128xf32, #tpu.memory_space<vmem>>) offsets(%dma_start3A_459 : memref<128xi32, #tpu.memory_space<vmem>>) semaphore(%arg10 : memref<!tpu.dma_semaphore, #tpu.memory_space<semaphore_mem>>)
    %dma_wait3A_463 = arith.constant 19 : i32
    %dma_wait3A_464 = arith.constant 0 : i32
    %dma_wait3A_465 = tpu.memref_slice %arg5[%dma_wait3A_463, %dma_wait3A_464] : memref<26x128xi32, #tpu.memory_space<vmem>> -> memref<1x128xi32, #tpu.memory_space<vmem>>
    %dma_wait3A_466 = tpu.memref_squeeze %dma_wait3A_465 : memref<1x128xi32, #tpu.memory_space<vmem>> -> memref<128xi32, #tpu.memory_space<vmem>>
    %dma_wait3A_467 = arith.constant 0 : i32
    %dma_wait3A_468 = arith.constant 0 : i32
    %dma_wait3A_469 = tpu.memref_slice %arg2[%dma_wait3A_467, %dma_wait3A_468] : memref<1000000x128xf32, #tpu.memory_space<hbm>> -> memref<1000000x128xf32, #tpu.memory_space<hbm>>
    tpu.wait_indirect_dma semaphore(%arg13 : memref<!tpu.dma_semaphore, #tpu.memory_space<semaphore_mem>>) src(%dma_wait3A_469 : memref<1000000x128xf32, #tpu.memory_space<hbm>>) dst(%arg9 : memref<128x128xf32, #tpu.memory_space<vmem>>)
    %add3A_470 = arith.constant 2432 : i32
    %add3A_471 = arith.addi %mul3A_2, %add3A_470 : i32
    %dma_start3A_472 = arith.constant 0 : i32
    %dma_start3A_473 = tpu.memref_slice %arg4[%add3A_471, %dma_start3A_472] : memref<106496x128xf32, #tpu.memory_space<hbm>> -> memref<128x128xf32, #tpu.memory_space<hbm>>
    %dma_start3A_474 = arith.constant 0 : i32
    %dma_start3A_475 = tpu.memref_slice %arg4[%add3A_471, %dma_start3A_474] : memref<106496x128xf32, #tpu.memory_space<hbm>> -> memref<128x128xf32, #tpu.memory_space<hbm>>
    tpu.enqueue_dma source(%arg9 : memref<128x128xf32, #tpu.memory_space<vmem>>) target(%dma_start3A_475 : memref<128x128xf32, #tpu.memory_space<hbm>>) target_semaphore(%arg17 : memref<!tpu.dma_semaphore, #tpu.memory_space<semaphore_mem>>)
    %dma_wait3A_476 = arith.constant 0 : i32
    %dma_wait3A_477 = tpu.memref_slice %arg4[%add3A_423, %dma_wait3A_476] : memref<106496x128xf32, #tpu.memory_space<hbm>> -> memref<128x128xf32, #tpu.memory_space<hbm>>
    %dma_wait3A_478 = arith.constant 0 : i32
    %dma_wait3A_479 = tpu.memref_slice %arg4[%add3A_423, %dma_wait3A_478] : memref<106496x128xf32, #tpu.memory_space<hbm>> -> memref<128x128xf32, #tpu.memory_space<hbm>>
    tpu.wait_dma2 semaphore(%arg15 : memref<!tpu.dma_semaphore, #tpu.memory_space<semaphore_mem>>) src(%arg7 : memref<128x128xf32, #tpu.memory_space<vmem>>) dst(%dma_wait3A_479 : memref<128x128xf32, #tpu.memory_space<hbm>>)
    %dma_start3A_480 = arith.constant 21 : i32
    %dma_start3A_481 = arith.constant 0 : i32
    %dma_start3A_482 = tpu.memref_slice %arg5[%dma_start3A_480, %dma_start3A_481] : memref<26x128xi32, #tpu.memory_space<vmem>> -> memref<1x128xi32, #tpu.memory_space<vmem>>
    %dma_start3A_483 = tpu.memref_squeeze %dma_start3A_482 : memref<1x128xi32, #tpu.memory_space<vmem>> -> memref<128xi32, #tpu.memory_space<vmem>>
    %dma_start3A_484 = arith.constant 0 : i32
    %dma_start3A_485 = arith.constant 0 : i32
    %dma_start3A_486 = tpu.memref_slice %arg2[%dma_start3A_484, %dma_start3A_485] : memref<1000000x128xf32, #tpu.memory_space<hbm>> -> memref<1000000x128xf32, #tpu.memory_space<hbm>>
    tpu.enqueue_indirect_dma source(%dma_start3A_486 : memref<1000000x128xf32, #tpu.memory_space<hbm>>) target(%arg7 : memref<128x128xf32, #tpu.memory_space<vmem>>) offsets(%dma_start3A_483 : memref<128xi32, #tpu.memory_space<vmem>>) semaphore(%arg11 : memref<!tpu.dma_semaphore, #tpu.memory_space<semaphore_mem>>)
    %dma_wait3A_487 = arith.constant 20 : i32
    %dma_wait3A_488 = arith.constant 0 : i32
    %dma_wait3A_489 = tpu.memref_slice %arg5[%dma_wait3A_487, %dma_wait3A_488] : memref<26x128xi32, #tpu.memory_space<vmem>> -> memref<1x128xi32, #tpu.memory_space<vmem>>
    %dma_wait3A_490 = tpu.memref_squeeze %dma_wait3A_489 : memref<1x128xi32, #tpu.memory_space<vmem>> -> memref<128xi32, #tpu.memory_space<vmem>>
    %dma_wait3A_491 = arith.constant 0 : i32
    %dma_wait3A_492 = arith.constant 0 : i32
    %dma_wait3A_493 = tpu.memref_slice %arg2[%dma_wait3A_491, %dma_wait3A_492] : memref<1000000x128xf32, #tpu.memory_space<hbm>> -> memref<1000000x128xf32, #tpu.memory_space<hbm>>
    tpu.wait_indirect_dma semaphore(%arg10 : memref<!tpu.dma_semaphore, #tpu.memory_space<semaphore_mem>>) src(%dma_wait3A_493 : memref<1000000x128xf32, #tpu.memory_space<hbm>>) dst(%arg6 : memref<128x128xf32, #tpu.memory_space<vmem>>)
    %add3A_494 = arith.constant 2560 : i32
    %add3A_495 = arith.addi %mul3A_2, %add3A_494 : i32
    %dma_start3A_496 = arith.constant 0 : i32
    %dma_start3A_497 = tpu.memref_slice %arg4[%add3A_495, %dma_start3A_496] : memref<106496x128xf32, #tpu.memory_space<hbm>> -> memref<128x128xf32, #tpu.memory_space<hbm>>
    %dma_start3A_498 = arith.constant 0 : i32
    %dma_start3A_499 = tpu.memref_slice %arg4[%add3A_495, %dma_start3A_498] : memref<106496x128xf32, #tpu.memory_space<hbm>> -> memref<128x128xf32, #tpu.memory_space<hbm>>
    tpu.enqueue_dma source(%arg6 : memref<128x128xf32, #tpu.memory_space<vmem>>) target(%dma_start3A_499 : memref<128x128xf32, #tpu.memory_space<hbm>>) target_semaphore(%arg14 : memref<!tpu.dma_semaphore, #tpu.memory_space<semaphore_mem>>)
    %dma_wait3A_500 = arith.constant 0 : i32
    %dma_wait3A_501 = tpu.memref_slice %arg4[%add3A_447, %dma_wait3A_500] : memref<106496x128xf32, #tpu.memory_space<hbm>> -> memref<128x128xf32, #tpu.memory_space<hbm>>
    %dma_wait3A_502 = arith.constant 0 : i32
    %dma_wait3A_503 = tpu.memref_slice %arg4[%add3A_447, %dma_wait3A_502] : memref<106496x128xf32, #tpu.memory_space<hbm>> -> memref<128x128xf32, #tpu.memory_space<hbm>>
    tpu.wait_dma2 semaphore(%arg16 : memref<!tpu.dma_semaphore, #tpu.memory_space<semaphore_mem>>) src(%arg8 : memref<128x128xf32, #tpu.memory_space<vmem>>) dst(%dma_wait3A_503 : memref<128x128xf32, #tpu.memory_space<hbm>>)
    %dma_start3A_504 = arith.constant 22 : i32
    %dma_start3A_505 = arith.constant 0 : i32
    %dma_start3A_506 = tpu.memref_slice %arg5[%dma_start3A_504, %dma_start3A_505] : memref<26x128xi32, #tpu.memory_space<vmem>> -> memref<1x128xi32, #tpu.memory_space<vmem>>
    %dma_start3A_507 = tpu.memref_squeeze %dma_start3A_506 : memref<1x128xi32, #tpu.memory_space<vmem>> -> memref<128xi32, #tpu.memory_space<vmem>>
    %dma_start3A_508 = arith.constant 0 : i32
    %dma_start3A_509 = arith.constant 0 : i32
    %dma_start3A_510 = tpu.memref_slice %arg2[%dma_start3A_508, %dma_start3A_509] : memref<1000000x128xf32, #tpu.memory_space<hbm>> -> memref<1000000x128xf32, #tpu.memory_space<hbm>>
    tpu.enqueue_indirect_dma source(%dma_start3A_510 : memref<1000000x128xf32, #tpu.memory_space<hbm>>) target(%arg8 : memref<128x128xf32, #tpu.memory_space<vmem>>) offsets(%dma_start3A_507 : memref<128xi32, #tpu.memory_space<vmem>>) semaphore(%arg12 : memref<!tpu.dma_semaphore, #tpu.memory_space<semaphore_mem>>)
    %dma_wait3A_511 = arith.constant 21 : i32
    %dma_wait3A_512 = arith.constant 0 : i32
    %dma_wait3A_513 = tpu.memref_slice %arg5[%dma_wait3A_511, %dma_wait3A_512] : memref<26x128xi32, #tpu.memory_space<vmem>> -> memref<1x128xi32, #tpu.memory_space<vmem>>
    %dma_wait3A_514 = tpu.memref_squeeze %dma_wait3A_513 : memref<1x128xi32, #tpu.memory_space<vmem>> -> memref<128xi32, #tpu.memory_space<vmem>>
    %dma_wait3A_515 = arith.constant 0 : i32
    %dma_wait3A_516 = arith.constant 0 : i32
    %dma_wait3A_517 = tpu.memref_slice %arg2[%dma_wait3A_515, %dma_wait3A_516] : memref<1000000x128xf32, #tpu.memory_space<hbm>> -> memref<1000000x128xf32, #tpu.memory_space<hbm>>
    tpu.wait_indirect_dma semaphore(%arg11 : memref<!tpu.dma_semaphore, #tpu.memory_space<semaphore_mem>>) src(%dma_wait3A_517 : memref<1000000x128xf32, #tpu.memory_space<hbm>>) dst(%arg7 : memref<128x128xf32, #tpu.memory_space<vmem>>)
    %add3A_518 = arith.constant 2688 : i32
    %add3A_519 = arith.addi %mul3A_2, %add3A_518 : i32
    %dma_start3A_520 = arith.constant 0 : i32
    %dma_start3A_521 = tpu.memref_slice %arg4[%add3A_519, %dma_start3A_520] : memref<106496x128xf32, #tpu.memory_space<hbm>> -> memref<128x128xf32, #tpu.memory_space<hbm>>
    %dma_start3A_522 = arith.constant 0 : i32
    %dma_start3A_523 = tpu.memref_slice %arg4[%add3A_519, %dma_start3A_522] : memref<106496x128xf32, #tpu.memory_space<hbm>> -> memref<128x128xf32, #tpu.memory_space<hbm>>
    tpu.enqueue_dma source(%arg7 : memref<128x128xf32, #tpu.memory_space<vmem>>) target(%dma_start3A_523 : memref<128x128xf32, #tpu.memory_space<hbm>>) target_semaphore(%arg15 : memref<!tpu.dma_semaphore, #tpu.memory_space<semaphore_mem>>)
    %dma_wait3A_524 = arith.constant 0 : i32
    %dma_wait3A_525 = tpu.memref_slice %arg4[%add3A_471, %dma_wait3A_524] : memref<106496x128xf32, #tpu.memory_space<hbm>> -> memref<128x128xf32, #tpu.memory_space<hbm>>
    %dma_wait3A_526 = arith.constant 0 : i32
    %dma_wait3A_527 = tpu.memref_slice %arg4[%add3A_471, %dma_wait3A_526] : memref<106496x128xf32, #tpu.memory_space<hbm>> -> memref<128x128xf32, #tpu.memory_space<hbm>>
    tpu.wait_dma2 semaphore(%arg17 : memref<!tpu.dma_semaphore, #tpu.memory_space<semaphore_mem>>) src(%arg9 : memref<128x128xf32, #tpu.memory_space<vmem>>) dst(%dma_wait3A_527 : memref<128x128xf32, #tpu.memory_space<hbm>>)
    %dma_start3A_528 = arith.constant 23 : i32
    %dma_start3A_529 = arith.constant 0 : i32
    %dma_start3A_530 = tpu.memref_slice %arg5[%dma_start3A_528, %dma_start3A_529] : memref<26x128xi32, #tpu.memory_space<vmem>> -> memref<1x128xi32, #tpu.memory_space<vmem>>
    %dma_start3A_531 = tpu.memref_squeeze %dma_start3A_530 : memref<1x128xi32, #tpu.memory_space<vmem>> -> memref<128xi32, #tpu.memory_space<vmem>>
    %dma_start3A_532 = arith.constant 0 : i32
    %dma_start3A_533 = arith.constant 0 : i32
    %dma_start3A_534 = tpu.memref_slice %arg2[%dma_start3A_532, %dma_start3A_533] : memref<1000000x128xf32, #tpu.memory_space<hbm>> -> memref<1000000x128xf32, #tpu.memory_space<hbm>>
    tpu.enqueue_indirect_dma source(%dma_start3A_534 : memref<1000000x128xf32, #tpu.memory_space<hbm>>) target(%arg9 : memref<128x128xf32, #tpu.memory_space<vmem>>) offsets(%dma_start3A_531 : memref<128xi32, #tpu.memory_space<vmem>>) semaphore(%arg13 : memref<!tpu.dma_semaphore, #tpu.memory_space<semaphore_mem>>)
    %dma_wait3A_535 = arith.constant 22 : i32
    %dma_wait3A_536 = arith.constant 0 : i32
    %dma_wait3A_537 = tpu.memref_slice %arg5[%dma_wait3A_535, %dma_wait3A_536] : memref<26x128xi32, #tpu.memory_space<vmem>> -> memref<1x128xi32, #tpu.memory_space<vmem>>
    %dma_wait3A_538 = tpu.memref_squeeze %dma_wait3A_537 : memref<1x128xi32, #tpu.memory_space<vmem>> -> memref<128xi32, #tpu.memory_space<vmem>>
    %dma_wait3A_539 = arith.constant 0 : i32
    %dma_wait3A_540 = arith.constant 0 : i32
    %dma_wait3A_541 = tpu.memref_slice %arg2[%dma_wait3A_539, %dma_wait3A_540] : memref<1000000x128xf32, #tpu.memory_space<hbm>> -> memref<1000000x128xf32, #tpu.memory_space<hbm>>
    tpu.wait_indirect_dma semaphore(%arg12 : memref<!tpu.dma_semaphore, #tpu.memory_space<semaphore_mem>>) src(%dma_wait3A_541 : memref<1000000x128xf32, #tpu.memory_space<hbm>>) dst(%arg8 : memref<128x128xf32, #tpu.memory_space<vmem>>)
    %add3A_542 = arith.constant 2816 : i32
    %add3A_543 = arith.addi %mul3A_2, %add3A_542 : i32
    %dma_start3A_544 = arith.constant 0 : i32
    %dma_start3A_545 = tpu.memref_slice %arg4[%add3A_543, %dma_start3A_544] : memref<106496x128xf32, #tpu.memory_space<hbm>> -> memref<128x128xf32, #tpu.memory_space<hbm>>
    %dma_start3A_546 = arith.constant 0 : i32
    %dma_start3A_547 = tpu.memref_slice %arg4[%add3A_543, %dma_start3A_546] : memref<106496x128xf32, #tpu.memory_space<hbm>> -> memref<128x128xf32, #tpu.memory_space<hbm>>
    tpu.enqueue_dma source(%arg8 : memref<128x128xf32, #tpu.memory_space<vmem>>) target(%dma_start3A_547 : memref<128x128xf32, #tpu.memory_space<hbm>>) target_semaphore(%arg16 : memref<!tpu.dma_semaphore, #tpu.memory_space<semaphore_mem>>)
    %dma_wait3A_548 = arith.constant 0 : i32
    %dma_wait3A_549 = tpu.memref_slice %arg4[%add3A_495, %dma_wait3A_548] : memref<106496x128xf32, #tpu.memory_space<hbm>> -> memref<128x128xf32, #tpu.memory_space<hbm>>
    %dma_wait3A_550 = arith.constant 0 : i32
    %dma_wait3A_551 = tpu.memref_slice %arg4[%add3A_495, %dma_wait3A_550] : memref<106496x128xf32, #tpu.memory_space<hbm>> -> memref<128x128xf32, #tpu.memory_space<hbm>>
    tpu.wait_dma2 semaphore(%arg14 : memref<!tpu.dma_semaphore, #tpu.memory_space<semaphore_mem>>) src(%arg6 : memref<128x128xf32, #tpu.memory_space<vmem>>) dst(%dma_wait3A_551 : memref<128x128xf32, #tpu.memory_space<hbm>>)
    %dma_start3A_552 = arith.constant 24 : i32
    %dma_start3A_553 = arith.constant 0 : i32
    %dma_start3A_554 = tpu.memref_slice %arg5[%dma_start3A_552, %dma_start3A_553] : memref<26x128xi32, #tpu.memory_space<vmem>> -> memref<1x128xi32, #tpu.memory_space<vmem>>
    %dma_start3A_555 = tpu.memref_squeeze %dma_start3A_554 : memref<1x128xi32, #tpu.memory_space<vmem>> -> memref<128xi32, #tpu.memory_space<vmem>>
    %dma_start3A_556 = arith.constant 0 : i32
    %dma_start3A_557 = arith.constant 0 : i32
    %dma_start3A_558 = tpu.memref_slice %arg2[%dma_start3A_556, %dma_start3A_557] : memref<1000000x128xf32, #tpu.memory_space<hbm>> -> memref<1000000x128xf32, #tpu.memory_space<hbm>>
    tpu.enqueue_indirect_dma source(%dma_start3A_558 : memref<1000000x128xf32, #tpu.memory_space<hbm>>) target(%arg6 : memref<128x128xf32, #tpu.memory_space<vmem>>) offsets(%dma_start3A_555 : memref<128xi32, #tpu.memory_space<vmem>>) semaphore(%arg10 : memref<!tpu.dma_semaphore, #tpu.memory_space<semaphore_mem>>)
    %dma_wait3A_559 = arith.constant 23 : i32
    %dma_wait3A_560 = arith.constant 0 : i32
    %dma_wait3A_561 = tpu.memref_slice %arg5[%dma_wait3A_559, %dma_wait3A_560] : memref<26x128xi32, #tpu.memory_space<vmem>> -> memref<1x128xi32, #tpu.memory_space<vmem>>
    %dma_wait3A_562 = tpu.memref_squeeze %dma_wait3A_561 : memref<1x128xi32, #tpu.memory_space<vmem>> -> memref<128xi32, #tpu.memory_space<vmem>>
    %dma_wait3A_563 = arith.constant 0 : i32
    %dma_wait3A_564 = arith.constant 0 : i32
    %dma_wait3A_565 = tpu.memref_slice %arg2[%dma_wait3A_563, %dma_wait3A_564] : memref<1000000x128xf32, #tpu.memory_space<hbm>> -> memref<1000000x128xf32, #tpu.memory_space<hbm>>
    tpu.wait_indirect_dma semaphore(%arg13 : memref<!tpu.dma_semaphore, #tpu.memory_space<semaphore_mem>>) src(%dma_wait3A_565 : memref<1000000x128xf32, #tpu.memory_space<hbm>>) dst(%arg9 : memref<128x128xf32, #tpu.memory_space<vmem>>)
    %add3A_566 = arith.constant 2944 : i32
    %add3A_567 = arith.addi %mul3A_2, %add3A_566 : i32
    %dma_start3A_568 = arith.constant 0 : i32
    %dma_start3A_569 = tpu.memref_slice %arg4[%add3A_567, %dma_start3A_568] : memref<106496x128xf32, #tpu.memory_space<hbm>> -> memref<128x128xf32, #tpu.memory_space<hbm>>
    %dma_start3A_570 = arith.constant 0 : i32
    %dma_start3A_571 = tpu.memref_slice %arg4[%add3A_567, %dma_start3A_570] : memref<106496x128xf32, #tpu.memory_space<hbm>> -> memref<128x128xf32, #tpu.memory_space<hbm>>
    tpu.enqueue_dma source(%arg9 : memref<128x128xf32, #tpu.memory_space<vmem>>) target(%dma_start3A_571 : memref<128x128xf32, #tpu.memory_space<hbm>>) target_semaphore(%arg17 : memref<!tpu.dma_semaphore, #tpu.memory_space<semaphore_mem>>)
    %dma_wait3A_572 = arith.constant 0 : i32
    %dma_wait3A_573 = tpu.memref_slice %arg4[%add3A_519, %dma_wait3A_572] : memref<106496x128xf32, #tpu.memory_space<hbm>> -> memref<128x128xf32, #tpu.memory_space<hbm>>
    %dma_wait3A_574 = arith.constant 0 : i32
    %dma_wait3A_575 = tpu.memref_slice %arg4[%add3A_519, %dma_wait3A_574] : memref<106496x128xf32, #tpu.memory_space<hbm>> -> memref<128x128xf32, #tpu.memory_space<hbm>>
    tpu.wait_dma2 semaphore(%arg15 : memref<!tpu.dma_semaphore, #tpu.memory_space<semaphore_mem>>) src(%arg7 : memref<128x128xf32, #tpu.memory_space<vmem>>) dst(%dma_wait3A_575 : memref<128x128xf32, #tpu.memory_space<hbm>>)
    %dma_start3A_576 = arith.constant 25 : i32
    %dma_start3A_577 = arith.constant 0 : i32
    %dma_start3A_578 = tpu.memref_slice %arg5[%dma_start3A_576, %dma_start3A_577] : memref<26x128xi32, #tpu.memory_space<vmem>> -> memref<1x128xi32, #tpu.memory_space<vmem>>
    %dma_start3A_579 = tpu.memref_squeeze %dma_start3A_578 : memref<1x128xi32, #tpu.memory_space<vmem>> -> memref<128xi32, #tpu.memory_space<vmem>>
    %dma_start3A_580 = arith.constant 0 : i32
    %dma_start3A_581 = arith.constant 0 : i32
    %dma_start3A_582 = tpu.memref_slice %arg2[%dma_start3A_580, %dma_start3A_581] : memref<1000000x128xf32, #tpu.memory_space<hbm>> -> memref<1000000x128xf32, #tpu.memory_space<hbm>>
    tpu.enqueue_indirect_dma source(%dma_start3A_582 : memref<1000000x128xf32, #tpu.memory_space<hbm>>) target(%arg7 : memref<128x128xf32, #tpu.memory_space<vmem>>) offsets(%dma_start3A_579 : memref<128xi32, #tpu.memory_space<vmem>>) semaphore(%arg11 : memref<!tpu.dma_semaphore, #tpu.memory_space<semaphore_mem>>)
    %dma_wait3A_583 = arith.constant 24 : i32
    %dma_wait3A_584 = arith.constant 0 : i32
    %dma_wait3A_585 = tpu.memref_slice %arg5[%dma_wait3A_583, %dma_wait3A_584] : memref<26x128xi32, #tpu.memory_space<vmem>> -> memref<1x128xi32, #tpu.memory_space<vmem>>
    %dma_wait3A_586 = tpu.memref_squeeze %dma_wait3A_585 : memref<1x128xi32, #tpu.memory_space<vmem>> -> memref<128xi32, #tpu.memory_space<vmem>>
    %dma_wait3A_587 = arith.constant 0 : i32
    %dma_wait3A_588 = arith.constant 0 : i32
    %dma_wait3A_589 = tpu.memref_slice %arg2[%dma_wait3A_587, %dma_wait3A_588] : memref<1000000x128xf32, #tpu.memory_space<hbm>> -> memref<1000000x128xf32, #tpu.memory_space<hbm>>
    tpu.wait_indirect_dma semaphore(%arg10 : memref<!tpu.dma_semaphore, #tpu.memory_space<semaphore_mem>>) src(%dma_wait3A_589 : memref<1000000x128xf32, #tpu.memory_space<hbm>>) dst(%arg6 : memref<128x128xf32, #tpu.memory_space<vmem>>)
    %add3A_590 = arith.constant 3072 : i32
    %add3A_591 = arith.addi %mul3A_2, %add3A_590 : i32
    %dma_start3A_592 = arith.constant 0 : i32
    %dma_start3A_593 = tpu.memref_slice %arg4[%add3A_591, %dma_start3A_592] : memref<106496x128xf32, #tpu.memory_space<hbm>> -> memref<128x128xf32, #tpu.memory_space<hbm>>
    %dma_start3A_594 = arith.constant 0 : i32
    %dma_start3A_595 = tpu.memref_slice %arg4[%add3A_591, %dma_start3A_594] : memref<106496x128xf32, #tpu.memory_space<hbm>> -> memref<128x128xf32, #tpu.memory_space<hbm>>
    tpu.enqueue_dma source(%arg6 : memref<128x128xf32, #tpu.memory_space<vmem>>) target(%dma_start3A_595 : memref<128x128xf32, #tpu.memory_space<hbm>>) target_semaphore(%arg14 : memref<!tpu.dma_semaphore, #tpu.memory_space<semaphore_mem>>)
    %dma_wait3A_596 = arith.constant 25 : i32
    %dma_wait3A_597 = arith.constant 0 : i32
    %dma_wait3A_598 = tpu.memref_slice %arg5[%dma_wait3A_596, %dma_wait3A_597] : memref<26x128xi32, #tpu.memory_space<vmem>> -> memref<1x128xi32, #tpu.memory_space<vmem>>
    %dma_wait3A_599 = tpu.memref_squeeze %dma_wait3A_598 : memref<1x128xi32, #tpu.memory_space<vmem>> -> memref<128xi32, #tpu.memory_space<vmem>>
    %dma_wait3A_600 = arith.constant 0 : i32
    %dma_wait3A_601 = arith.constant 0 : i32
    %dma_wait3A_602 = tpu.memref_slice %arg2[%dma_wait3A_600, %dma_wait3A_601] : memref<1000000x128xf32, #tpu.memory_space<hbm>> -> memref<1000000x128xf32, #tpu.memory_space<hbm>>
    tpu.wait_indirect_dma semaphore(%arg11 : memref<!tpu.dma_semaphore, #tpu.memory_space<semaphore_mem>>) src(%dma_wait3A_602 : memref<1000000x128xf32, #tpu.memory_space<hbm>>) dst(%arg7 : memref<128x128xf32, #tpu.memory_space<vmem>>)
    %add3A_603 = arith.constant 3200 : i32
    %add3A_604 = arith.addi %mul3A_2, %add3A_603 : i32
    %dma_start3A_605 = arith.constant 0 : i32
    %dma_start3A_606 = tpu.memref_slice %arg4[%add3A_604, %dma_start3A_605] : memref<106496x128xf32, #tpu.memory_space<hbm>> -> memref<128x128xf32, #tpu.memory_space<hbm>>
    %dma_start3A_607 = arith.constant 0 : i32
    %dma_start3A_608 = tpu.memref_slice %arg4[%add3A_604, %dma_start3A_607] : memref<106496x128xf32, #tpu.memory_space<hbm>> -> memref<128x128xf32, #tpu.memory_space<hbm>>
    tpu.enqueue_dma source(%arg7 : memref<128x128xf32, #tpu.memory_space<vmem>>) target(%dma_start3A_608 : memref<128x128xf32, #tpu.memory_space<hbm>>) target_semaphore(%arg15 : memref<!tpu.dma_semaphore, #tpu.memory_space<semaphore_mem>>)
    %dma_wait3A_609 = arith.constant 0 : i32
    %dma_wait3A_610 = tpu.memref_slice %arg4[%add3A_543, %dma_wait3A_609] : memref<106496x128xf32, #tpu.memory_space<hbm>> -> memref<128x128xf32, #tpu.memory_space<hbm>>
    %dma_wait3A_611 = arith.constant 0 : i32
    %dma_wait3A_612 = tpu.memref_slice %arg4[%add3A_543, %dma_wait3A_611] : memref<106496x128xf32, #tpu.memory_space<hbm>> -> memref<128x128xf32, #tpu.memory_space<hbm>>
    tpu.wait_dma2 semaphore(%arg16 : memref<!tpu.dma_semaphore, #tpu.memory_space<semaphore_mem>>) src(%arg8 : memref<128x128xf32, #tpu.memory_space<vmem>>) dst(%dma_wait3A_612 : memref<128x128xf32, #tpu.memory_space<hbm>>)
    %dma_wait3A_613 = arith.constant 0 : i32
    %dma_wait3A_614 = tpu.memref_slice %arg4[%add3A_567, %dma_wait3A_613] : memref<106496x128xf32, #tpu.memory_space<hbm>> -> memref<128x128xf32, #tpu.memory_space<hbm>>
    %dma_wait3A_615 = arith.constant 0 : i32
    %dma_wait3A_616 = tpu.memref_slice %arg4[%add3A_567, %dma_wait3A_615] : memref<106496x128xf32, #tpu.memory_space<hbm>> -> memref<128x128xf32, #tpu.memory_space<hbm>>
    tpu.wait_dma2 semaphore(%arg17 : memref<!tpu.dma_semaphore, #tpu.memory_space<semaphore_mem>>) src(%arg9 : memref<128x128xf32, #tpu.memory_space<vmem>>) dst(%dma_wait3A_616 : memref<128x128xf32, #tpu.memory_space<hbm>>)
    %dma_wait3A_617 = arith.constant 0 : i32
    %dma_wait3A_618 = tpu.memref_slice %arg4[%add3A_591, %dma_wait3A_617] : memref<106496x128xf32, #tpu.memory_space<hbm>> -> memref<128x128xf32, #tpu.memory_space<hbm>>
    %dma_wait3A_619 = arith.constant 0 : i32
    %dma_wait3A_620 = tpu.memref_slice %arg4[%add3A_591, %dma_wait3A_619] : memref<106496x128xf32, #tpu.memory_space<hbm>> -> memref<128x128xf32, #tpu.memory_space<hbm>>
    tpu.wait_dma2 semaphore(%arg14 : memref<!tpu.dma_semaphore, #tpu.memory_space<semaphore_mem>>) src(%arg6 : memref<128x128xf32, #tpu.memory_space<vmem>>) dst(%dma_wait3A_620 : memref<128x128xf32, #tpu.memory_space<hbm>>)
    %dma_wait3A_621 = arith.constant 0 : i32
    %dma_wait3A_622 = tpu.memref_slice %arg4[%add3A_604, %dma_wait3A_621] : memref<106496x128xf32, #tpu.memory_space<hbm>> -> memref<128x128xf32, #tpu.memory_space<hbm>>
    %dma_wait3A_623 = arith.constant 0 : i32
    %dma_wait3A_624 = tpu.memref_slice %arg4[%add3A_604, %dma_wait3A_623] : memref<106496x128xf32, #tpu.memory_space<hbm>> -> memref<128x128xf32, #tpu.memory_space<hbm>>
    tpu.wait_dma2 semaphore(%arg15 : memref<!tpu.dma_semaphore, #tpu.memory_space<semaphore_mem>>) src(%arg7 : memref<128x128xf32, #tpu.memory_space<vmem>>) dst(%dma_wait3A_624 : memref<128x128xf32, #tpu.memory_space<hbm>>)
    return
  }
}

</mosaic_0001>

<sc_bundles>
// kernel: kernel.3.cloned.1.call-start
scs
__scs_entry_jumppad:
0x0: {  	(pc) =	sbr.rel $0x88, $3  }
0x1: {  	(tag) =	ssettag $0x0;
	lr =	simm.s32 $0x1  }
0x2: {  	[smem:$0x3F9F] =	sst lr;
	_ =	strace $0xD0000000  }
0x3: {  	_ = 	snop  }
0x4: {  	_ = 	snop  }
0x5: {  	_ = 	snop  }
0x6: {  	_ = 	snop  }
0x7: {  	_ = 	snop  }
__scs_overlays_trampoline_lowered:
0x8: {  	[smem:$0x3FAE] =	sst s0  }
0x9: {  	[smem:$0x3FAF] =	sst s1  }
0xa: {  	[smem:$0x3FB0] =	sst s2  }
0xb: {  	[smem:$0x3FB1] =	sst s3  }
0xc: {  	[smem:$0x3FB2] =	sst s4  }
0xd: {  	[smem:$0x3FB3] =	sst s5  }
0xe: {  	[smem:$0x3FB4] =	sst s6  }
0xf: {  	[smem:$0x3FB5] =	sst s7  }
0x10: {  	[smem:$0x3FB6] =	sst s8  }
0x11: {  	[smem:$0x3FB7] =	sst s9;
	s0 =	simm.s32 @!p0 $0x0  }
0x12: {  	s1 =	sld [smem:$0x3F9D];
	s0 =	simm.s32 @p0 $0x1  }
0x13: {  	[smem:$0x3FB8] =	sst s0;
	s0 =	simm.s32 @!p1 $0x0  }
0x14: {  	s2 =	sld [smem:$0x3F9C];
	s0 =	simm.s32 @p1 $0x1  }
0x15: {  	[smem:$0x3FB9] =	sst s0;
	s0 =	simm.s32 @!p2 $0x0  }
0x16: {  	s3 =	sld [smem:$0x3FDB];
	s0 =	simm.s32 @p2 $0x1  }
0x17: {  	s4 =	simm.s32 $0x1BF5;
	[smem:$0x3FBB] =	sst s0  }
0x18: {  	s0 =	sld [smem:$0x3F9E];
	_ =	swait.ge [sflag:s4], $0x0  }
0x19: {  	s7 =	sld [smem:$0x3F9F]  }
0x1a: {  	s8 =	sadd.s32 $0xFFFFE003, lr  }
0x1b: {  	s9 =	sadd.s32 $0xFFFFFEF7, lr;
	s5 =	simm.s32 $0xFFFFFFFF;
	p2 =	slt.u32 s8, $0xFFFFF086  }
0x1c: {  	p1 =	slt.u32 s9, $0xF7A;
	s5 =	simm.s32 @!p2 $0x0  }
0x1d: {  	s5 =	simm.s32 @p1 $0x1;
	p0 =	seq.s32 s7, s2  }
0x1e: {  	s7 =	smul.u32 @!p0 $0xF7A, s2;
	p2 =	seq.s32 @!p0 s5, $0x0  }
0x1f: {  	s9 =	smul.u32 $0xF7A, s1;
	s8 =	simm.s32 @!p0 $0x1BF5;
	p2 =	por !p2, p0  }
0x20: {  	[sflag:s8] =	ssyncset.s32 @!p0 $0xFFFFF086;
	s6 =	sadd.s32 @!p0 s3, s7;
	s7 =	simm.s32 @!p0 $0x108  }
0x21: {  	s3 =	sadd.s32 s3, s9;
	s6 =	sadd.s32 @!p0 $0x88, s6;
	s7 =	simm.s32 @p2 $0x1082  }
0x22: {  	[simem:s7], [sflag:s8] =	dma.local @!p0 [hbm:s6], $0xF7A  }
0x23: {  	s9 =	sor.u32 $0xD0000000, s2;
	s6 =	simm.s32 $0x108;
	_ =	swait.ge @!p0 [sflag:s8], $0x0  }
0x24: {  	s3 =	sadd.s32 $0x88, s3;
	s6 =	simm.s32 @!p1 $0x1082;
	[sflag:s4] =	ssyncset.s32 $0xFFFFF086  }
0x25: {  	[simem:s6], [sflag:s4] =	dma.local [hbm:s3], $0xF7A  }
0x26: {  	[smem:$0x3F9F] =	sst s1;
	(tag) =	ssettag s2;
	_ =	strace s9  }
0x27: {  	s1 =	sld [smem:$0x3FAF]  }
0x28: {  	s2 =	sld [smem:$0x3FB0]  }
0x29: {  	s4 =	sld [smem:$0x3FB2]  }
0x2a: {  	p0 =	seq.s32 s5, $0x0;
	s5 =	sld [smem:$0x3FB3]  }
0x2b: {  	s6 =	sld [smem:$0x3FB4]  }
0x2c: {  	s7 =	sld [smem:$0x3FB5]  }
0x2d: {  	s3 =	simm.s32 $0x108;
	s8 =	sld [smem:$0x3FB6]  }
0x2e: {  	s3 =	simm.s32 @!p0 $0x1082;
	s9 =	sld [smem:$0x3FB7]  }
0x2f: {  	lr =	sadd.s32 s0, s3;
	s0 =	sld [smem:$0x3FAE]  }
0x30: {  	s3 =	sld [smem:$0x3FB1]  }
0x31: {  	[smem:$0x3FBA] =	sst s10  }
0x32: {  	s10 =	sld [smem:$0x3FB8];
	_ =	sdelay $0x3  }
0x33: {  	p0 =	seq.s32 s10, $0x1;
	s10 =	sld [smem:$0x3FBA];
	_ =	sdelay $0x3  }
0x34: {  	[smem:$0x3FBA] =	sst s10  }
0x35: {  	s10 =	sld [smem:$0x3FB9];
	_ =	sdelay $0x3  }
0x36: {  	p1 =	seq.s32 s10, $0x1;
	s10 =	sld [smem:$0x3FBA];
	_ =	sdelay $0x3  }
0x37: {  	[smem:$0x3FBA] =	sst s10  }
0x38: {  	s10 =	sld [smem:$0x3FBB]  }
0x39: {  	_ = 	snop;
	(pc) =	sbr.ind lr, $3  }
0x3a: {  	_ = 	snop  }
0x3b: {  	_ = 	snop  }
0x3c: {  	p2 =	seq.s32 s10, $0x1;
	s10 =	sld [smem:$0x3FBA]  }
0x3d: {  	_ =	shalt  }
0x3e: {  	_ =	shalt  }
0x3f: {  	_ =	shalt  }
0x40: {  	_ =	shalt  }
0x41: {  	_ =	shalt  }
0x42: {  	_ =	shalt  }
0x43: {  	_ =	shalt  }
0x44: {  	_ =	shalt  }
0x45: {  	_ =	shalt  }
0x46: {  	_ =	shalt  }
0x47: {  	_ =	shalt  }
0x48: {  	_ =	shalt  }
0x49: {  	_ =	shalt  }
0x4a: {  	_ =	shalt  }
0x4b: {  	_ =	shalt  }
0x4c: {  	_ =	shalt  }
0x4d: {  	_ =	shalt  }
0x4e: {  	_ =	shalt  }
0x4f: {  	_ =	shalt  }
0x50: {  	_ =	shalt  }
0x51: {  	_ =	shalt  }
0x52: {  	_ =	shalt  }
0x53: {  	_ =	shalt  }
0x54: {  	_ =	shalt  }
0x55: {  	_ =	shalt  }
0x56: {  	_ =	shalt  }
0x57: {  	_ =	shalt  }
0x58: {  	_ =	shalt  }
0x59: {  	_ =	shalt  }
0x5a: {  	_ =	shalt  }
0x5b: {  	_ =	shalt  }
0x5c: {  	_ =	shalt  }
0x5d: {  	_ =	shalt  }
0x5e: {  	_ =	shalt  }
0x5f: {  	_ =	shalt  }
0x60: {  	_ =	shalt  }
0x61: {  	_ =	shalt  }
0x62: {  	_ =	shalt  }
0x63: {  	_ =	shalt  }
0x64: {  	_ =	shalt  }
0x65: {  	_ =	shalt  }
0x66: {  	_ =	shalt  }
0x67: {  	_ =	shalt  }
0x68: {  	_ =	shalt  }
0x69: {  	_ =	shalt  }
0x6a: {  	_ =	shalt  }
0x6b: {  	_ =	shalt  }
0x6c: {  	_ =	shalt  }
0x6d: {  	_ =	shalt  }
0x6e: {  	_ =	shalt  }
0x6f: {  	_ =	shalt  }
0x70: {  	_ =	shalt  }
0x71: {  	_ =	shalt  }
0x72: {  	_ =	shalt  }
0x73: {  	_ =	shalt  }
0x74: {  	_ =	shalt  }
0x75: {  	_ =	shalt  }
0x76: {  	_ =	shalt  }
0x77: {  	_ =	shalt  }
0x78: {  	_ =	shalt  }
0x79: {  	_ =	shalt  }
0x7a: {  	_ =	shalt  }
0x7b: {  	_ =	shalt  }
0x7c: {  	_ =	shalt  }
0x7d: {  	_ =	shalt  }
0x7e: {  	_ =	shalt  }
0x7f: {  	_ =	shalt  }
0x80: {  	_ =	shalt  }
0x81: {  	_ =	shalt  }
0x82: {  	_ =	shalt  }
0x83: {  	_ =	shalt  }
0x84: {  	_ =	shalt  }
0x85: {  	_ =	shalt  }
0x86: {  	_ =	shalt  }
0x87: {  	_ =	shalt  }
.Lfunc_end0:
.L_simem_size_0:
called_computation_lowered:
.L_overlay_start_0:
0x88: {  	s2 =	sld [smem:$0x3FD9]  }
0x89: {  	s3 =	sld [smem:$0x3FFE];
	_ =	sdelay $0x1  }
0x8a: {  	s1 =	srdreg.scid  }
0x8b: {  	s0 =	sand.u32 $0x1, s1  }
0x8c: {  	s17 =	sshll.u32 s0, $0xA;
	s2 =	sadd.s32 s3, s2  }
0x8d: {  	s2 =	sadd.s32 s2, s17  }
0x8e: {  	[smem:$0x3FC6] =	sst s2  }
0x8f: {  	_ = 	snop  }
0x90: {  	s2 =	sld [smem:$0x3FD0];
	(tm) =	ssettm $0x1  }
0x91: {  	s18 =	sld [smem:$0x3FFB];
	_ =	sdelay $0x3  }
0x92: {  	_ =	strace s18  }
0x93: {  	s3 =	sld [smem:$0x3FFC];
	_ =	sdelay $0x3  }
0x94: {  	_ =	strace s3  }
0x95: {  	s3 =	sld [smem:$0x3FFD];
	_ =	sdelay $0x3  }
0x96: {  	_ =	strace s3  }
0x97: {  	_ =	strace $0x8FFFFFFF  }
0x98: {  	s19 =	sld [smem:$0x3FDB];
	_ =	sdelay $0x1  }
0x99: {  	s4 =	simm.s32 $_scs_section_size  }
0x9a: {  	s5 =	simm.s32 $_size__tile_overlayer_lowered;
	s6 =	simm.s32 $_tile_overlayer_lowered  }
0x9b: {  	s22 =	simm.s32 $0x1BFF;
	s21 =	sshll.u32 s6, $0x1;
	s3 =	sadd.s32 s4, s19  }
0x9c: {  	s7 =	simm.s32 $0x0;
	s20 =	sshll.u32 s5, $0x1;
	s5 =	sadd.s32 s21, s3  }
0x9d: {  	[timem:s7], [sflag:s22] =	dma.local [hbm:s5], s20  }
0x9e: {  	_ =	swait.ge [sflag:s22], s20  }
0x9f: {  	s4 =	ssub.s32 $0x0, s20;
	[sflag:s22] =	ssyncset.done $0x0  }
0xa0: {  	[sflag:s22] =	ssyncadd.s32 s4;
	_ =	sdelay $0x1  }
0xa1: {  	s23 =	simm.s32 $0x1B8B  }
0xa2: {  	_ =	swait.ge [sflag:s23], $0x1  }
0xa3: {  	[sflag:s23] =	ssyncset.done $0x0  }
0xa4: {  	s25 =	simm.s32 $0x1B8E;
	s24 =	sld [smem:$0x3FFE];
	[sflag:s23] =	ssyncadd.s32 $0xFFFFFFFF  }
0xa5: {  	s26 =	simm.s32 $execute0_lowered;
	[smem:$0x3FD2] =	sst s25  }
0xa6: {  	s5 =	sshll.u32 s26, $0x1;
	_ =	strace $0x80000046;
	[dreg:$0x1] =	wrdreg $0xFFFFFFFF  }
0xa7: {  	s28 =	simm.s32 $_size_execute0_lowered;
	s3 =	sadd.s32 s3, s5;
	[dreg:$0x0] =	wrdreg $0x0  }
0xa8: {  	s5 =	sshll.u32 s28, $0x1;
	[dreg:$0x2] =	wrdreg s3  }
0xa9: {  	[dreg:$0x3] =	wrdreg s5  }
0xaa: {  	[dreg:$0x4] =	wrdreg $0xC0  }
0xab: {  	_ =	task [dreg:s7], $0x5FFFF  }
0xac: {  	[dreg:$0x1] =	wrdreg $0xFFFFFFFF  }
0xad: {  	[dreg:$0x0] =	wrdreg $0x60  }
0xae: {  	[dreg:$0x2] =	wrdreg s24  }
0xaf: {  	[dreg:$0x3] =	wrdreg s2  }
0xb0: {  	[dreg:$0x4] =	wrdreg $0x9  }
0xb1: {  	_ =	task.clear_ibuf [dreg:s7], $0x5FFFF;
	_ =	strace $0x90000046  }
0xb2: {  	s29 =	simm.s32 $0x9;
	_ =	strace $0x80000048  }
0xb3: {  	_ =	swait.ge [sflag:s29], $0x1  }
0xb4: {  	[sflag:s29] =	ssyncadd.s32 $0xFFFFFFFF  }
0xb5: {  	_ =	strace $0x90000048  }
0xb6: {  	_ =	sfence  }
0xb7: {  	s30 =	sld [smem:$0x0];
	_ =	sdelay $0x2  }
0xb8: {  	s31 =	sshll.u32 s1, $0xD;
	s1 =	sshrl.u32 s1, $0x2  }
0xb9: {  	s3 =	sand.u32 $0x4000, s31;
	s1 =	sadd.s32 s1, s30  }
0xba: {  	s0 =	sor.u32 s3, s0;
	s1 =	sshll.u32 s1, $0x11  }
0xbb: {  	s0 =	sor.u32 s1, s0  }
0xbc: {  	s0 =	sadd.s32 $0x8F2B, s0  }
0xbd: {  	[sflag:s0] =	ssyncadd.remote.s32 $0x1  }
0xbe: {  	_ =	sfence.sel $0xFFFF  }
0xbf: {  	[dreg:$0x0] =	wrdreg $0xFFFFFFFF;
	(pc) =	sbr.abs _section_cstart, $3  }
0xc0: {  	[dreg:$0x1] =	wrdreg $0xFFFFFFFF  }
0xc1: {  	_ =	task.clear_ibuf [dreg:s7], $0x2FFFF;
	_ =	strace $0x9FFFFFFF  }
0xc2: {  	(tm) =	ssettm $0x7FFFFFFF  }
0xc3: {  	_ =	shalt  }
tec
execute0_lowered:
.L_overlay_start_1:
0x0: {  	(tag) =	ssettag $0x1  }
0x1: {  	s0 =	srdreg.scid;
	s17 =	stileid.u32  }
0x2: {  	s0 =	sand.u32 $0x1, s0;
	s2 =	sshll.u32 s17, $0x1  }
0x3: {  	s1 =	rddreg [dreg:$0x0];
	s4 =	sor.u32 s0, s2  }
0x4: {  	s3 =	rddreg [dreg:$0x1];
	s2 =	simm.s32 $0x0;
	s5 =	smul.u32 $0xD000, s4  }
0x5: {  	[smem:$0x7FF] =	sst s2;
	s6 =	smul.u32 $0x68000, s4  }
0x6: {  	s7 =	sadd.s32 $0x600, s1;
	s4 =	sshll.u32 s4, $0x9;
	_ =	strace $0x80000047  }
0x7: {  	s3 =	sadd.s32 s3, s4;
	s30 =	sadd.s32 s7, s5;
	s8 =	sshrl.u32 s6, $0x3  }
0x8: {  	[dreg:$0x3] =	wrdreg s3;
	s9 =	sadd.s32 $0x800, s30;
	s4 =	sadd.s32 s7, s8  }
0x9: {  	[dreg:$0x4] =	wrdreg s9;
	s10 =	sadd.s32 $0x1000, s4  }
0xa: {  	s11 =	sadd.s32 $0x1800, s4;
	[dreg:$0x5] =	wrdreg s10  }
0xb: {  	s12 =	sadd.s32 $0x2000, s4;
	[dreg:$0x6] =	wrdreg s11  }
0xc: {  	s13 =	sadd.s32 $0x2800, s4;
	[dreg:$0x7] =	wrdreg s12  }
0xd: {  	s14 =	sadd.s32 $0x3000, s4;
	[dreg:$0x8] =	wrdreg s13  }
0xe: {  	s15 =	sadd.s32 $0x3800, s4;
	[dreg:$0x9] =	wrdreg s14  }
0xf: {  	s16 =	sadd.s32 $0x4000, s4;
	[dreg:$0xa] =	wrdreg s15  }
0x10: {  	s18 =	sadd.s32 $0x4800, s4;
	[dreg:$0xb] =	wrdreg s16  }
0x11: {  	s19 =	sadd.s32 $0x5000, s4;
	[dreg:$0xc] =	wrdreg s18  }
0x12: {  	s20 =	sadd.s32 $0x5800, s4;
	[dreg:$0xd] =	wrdreg s19  }
0x13: {  	s21 =	sadd.s32 $0x6000, s4;
	[dreg:$0xe] =	wrdreg s20  }
0x14: {  	s22 =	sadd.s32 $0x6800, s4;
	[dreg:$0xf] =	wrdreg s21  }
0x15: {  	s23 =	sadd.s32 $0x7000, s4;
	[dreg:$0x10] =	wrdreg s22  }
0x16: {  	s24 =	sadd.s32 $0x7800, s4;
	[dreg:$0x11] =	wrdreg s23  }
0x17: {  	s25 =	sadd.s32 $0x8000, s4;
	[dreg:$0x12] =	wrdreg s24  }
0x18: {  	s31 =	simm.s32 $0x9;
	s26 =	sadd.s32 $0x8800, s4;
	[dreg:$0x13] =	wrdreg s25  }
0x19: {  	s29 =	simm.s32 $0x780;
	s5 =	sadd.s32 $0x9000, s4;
	[dreg:$0x14] =	wrdreg s26  }
0x1a: {  	s28 =	simm.s32 $0x800;
	s6 =	sadd.s32 $0x9800, s4;
	[dreg:$0x15] =	wrdreg s5  }
0x1b: {  	p0 =	por $0x0, $0x0;
	s7 =	sadd.s32 $0xA000, s4;
	[dreg:$0x16] =	wrdreg s6  }
0x1c: {  	s0 =	ssub.s32 $0x2, s0;
	s8 =	sadd.s32 $0xA800, s4;
	[dreg:$0x17] =	wrdreg s7  }
0x1d: {  	s3 =	simm.s32 $0x5000;
	s9 =	sadd.s32 $0xB000, s4;
	[dreg:$0x18] =	wrdreg s8  }
0x1e: {  	[dreg:$0x19] =	wrdreg s9;
	s10 =	sadd.s32 $0xB800, s4;
	s11 =	sshrl.u32 s0, $0x1  }
0x1f: {  	s12 =	sadd.s32 $0xC000, s4;
	s13 =	sadd.s32 $0xC800, s4;
	s4 =	sadd.s32 $0xF42A00, s1  }
0x20: {  	s6 =	simm.s32 $0x80;
	s14 =	simm.s32 $0x100;
	[dreg:$0x1a] =	wrdreg s10  }
0x21: {  	s5 =	simm.s32 $0x1000;
	s15 =	simm.s32 $0x180;
	[dreg:$0x1b] =	wrdreg s12  }
0x22: {  	s16 =	simm.s32 $0x200;
	s18 =	simm.s32 $0x280;
	[dreg:$0x1c] =	wrdreg s13  }
0x23: {  	s19 =	simm.s32 $0x300;
	s20 =	simm.s32 $0x380;
	[dreg:$0x1d] =	wrdreg s14  }
0x24: {  	s9 =	simm.s32 $0x2;
	s21 =	simm.s32 $0x400;
	[dreg:$0x1e] =	wrdreg s15  }
0x25: {  	s22 =	simm.s32 $0x480;
	s7 =	simm.s32 $0x5;
	[dreg:$0x1f] =	wrdreg s16  }
0x26: {  	s23 =	simm.s32 $0x500;
	s24 =	simm.s32 $0x580;
	[smem:$0x7F5] =	sst s18  }
0x27: {  	s8 =	simm.s32 $0x6;
	s25 =	simm.s32 $0x600;
	[smem:$0x7F6] =	sst s19  }
0x28: {  	s26 =	simm.s32 $0x680;
	s0 =	ssub.s32 s0, s11;
	[smem:$0x7F7] =	sst s20  }
0x29: {  	s14 =	simm.s32 $0x9000;
	s11 =	simm.s32 $0xD000;
	[smem:$0x7F8] =	sst s21  }
0x2a: {  	s10 =	simm.s32 $0x1;
	s16 =	simm.s32 $0x3;
	[smem:$0x7F9] =	sst s22  }
0x2b: {  	s15 =	simm.s32 $0x4;
	[smem:$0x7FA] =	sst s23;
	s0 =	smax.u32 s0, $0x1  }
0x2c: {  	[smem:$0x7FB] =	sst s24;
	s12 =	simm.s32 $0x7;
	p1 =	sne.s32 s0, $0x1  }
.Ltmp0:
0x2d: {  	[smem:$0x7FC] =	sst s25;
	s13 =	simm.s32 $0x8;
	(pc) =	sbr.rel @!p1 .LBB2_1-.Ltmp0, $4  }
0x2e: {  	[smem:$0x7FD] =	sst s26;
	s26 =	simm.s32 $0x880;
	s25 =	simm.s32 $0x900  }
0x2f: {  	s24 =	simm.s32 $0x980;
	s23 =	simm.s32 $0xA00;
	s22 =	simm.s32 $0xA80  }
0x30: {  	s21 =	simm.s32 $0xB00;
	s20 =	simm.s32 $0xB80;
	s19 =	simm.s32 $0xC00  }
0x31: {  	s18 =	simm.s32 $0xC80;
	s1 =	sadd.s32 $0xFFFFFFFF, s0;
	s0 =	rddreg [dreg:$0x3]  }
0x32: {  	[tilespmem:s2], [sflag:$0x9] =	stream.linear.gather [hbm4b:s0+s2], $0xD00, $0x38;
	[tilespmem:$0x11000] =	vst v63  }
0x33: {  	_ =	swait.ge [sflag:s31], $0xD00  }
0x34: {  	[sflag:s31] =	ssyncset.done $0x0  }
0x35: {  	[sflag:s31] =	ssyncadd.s32 $0xFFFFF300  }
0x36: {  	[tilespmem:s5], [sflag:$0x1] =	stream.indirect.gather [hbm4b:s4+s6], $0x80, s2, s6, $0xb8;
	[tilespmem:$0x11000] =	vst v63  }
0x37: {  	_ = 	snop  }
0x38: {  	[tilespmem:s3], [sflag:$0x2] =	stream.indirect.gather [hbm4b:s4+s6], $0x80, s6, s6, $0xb8;
	[tilespmem:$0x11000] =	vst v63  }
0x39: {  	s0 =	rddreg [dreg:$0x1d]  }
0x3a: {  	[tilespmem:s14], [sflag:$0x3] =	stream.indirect.gather [hbm4b:s4+s6], $0x80, s0, s6, $0xb8;
	[tilespmem:$0x11000] =	vst v63  }
0x3b: {  	s17 =	smov.u32 s1;
	s1 =	rddreg [dreg:$0x1e]  }
0x3c: {  	[tilespmem:s11], [sflag:$0x4] =	stream.indirect.gather [hbm4b:s4+s6], $0x80, s1, s6, $0xb8;
	[tilespmem:$0x11000] =	vst v63  }
0x3d: {  	_ =	swait.ge [sflag:s10], $0x4000  }
0x3e: {  	[sflag:s10] =	ssyncset.done $0x0  }
0x3f: {  	[sflag:s10] =	ssyncadd.s32 $0xFFFFC000  }
0x40: {  	[hbm4b:s30+s2] =	stream.linear.scatter [tilespmem:s5], [sflag:$0x5], $0x4000, $0x38;
	[tilespmem:$0x11000] =	vst v63  }
0x41: {  	_ =	swait.ge [sflag:s9], $0x4000  }
0x42: {  	[sflag:s9] =	ssyncset.done $0x0  }
0x43: {  	s1 =	rddreg [dreg:$0x4];
	[sflag:s9] =	ssyncadd.s32 $0xFFFFC000  }
0x44: {  	[hbm4b:s1+s2] =	stream.linear.scatter [tilespmem:s3], [sflag:$0x6], $0x4000, $0x38;
	[tilespmem:$0x11000] =	vst v63  }
0x45: {  	_ =	swait.ge [sflag:s16], $0x4000  }
0x46: {  	[sflag:s16] =	ssyncset.done $0x0  }
0x47: {  	s1 =	rddreg [dreg:$0x5];
	[sflag:s16] =	ssyncadd.s32 $0xFFFFC000  }
0x48: {  	[hbm4b:s1+s2] =	stream.linear.scatter [tilespmem:s14], [sflag:$0x7], $0x4000, $0x38;
	[tilespmem:$0x11000] =	vst v63  }
0x49: {  	_ =	swait.ge [sflag:s7], $0x4000  }
0x4a: {  	[sflag:s7] =	ssyncset.done $0x0  }
0x4b: {  	s1 =	rddreg [dreg:$0x1f];
	[sflag:s7] =	ssyncadd.s32 $0xFFFFC000  }
0x4c: {  	[tilespmem:s5], [sflag:$0x1] =	stream.indirect.gather [hbm4b:s4+s6], $0x80, s1, s6, $0xb8;
	[tilespmem:$0x11000] =	vst v63  }
0x4d: {  	_ =	swait.ge [sflag:s15], $0x4000  }
0x4e: {  	[sflag:s15] =	ssyncset.done $0x0  }
0x4f: {  	s1 =	rddreg [dreg:$0x6];
	[sflag:s15] =	ssyncadd.s32 $0xFFFFC000  }
0x50: {  	[hbm4b:s1+s2] =	stream.linear.scatter [tilespmem:s11], [sflag:$0x8], $0x4000, $0x38;
	[tilespmem:$0x11000] =	vst v63  }
0x51: {  	_ =	swait.ge [sflag:s8], $0x4000  }
0x52: {  	s1 =	sld [smem:$0x7F5]  }
0x53: {  	[sflag:s8] =	ssyncset.done $0x0  }
0x54: {  	[sflag:s8] =	ssyncadd.s32 $0xFFFFC000  }
0x55: {  	[tilespmem:s3], [sflag:$0x2] =	stream.indirect.gather [hbm4b:s4+s6], $0x80, s1, s6, $0xb8;
	[tilespmem:$0x11000] =	vst v63  }
0x56: {  	_ =	swait.ge [sflag:s10], $0x4000  }
0x57: {  	[sflag:s10] =	ssyncset.done $0x0  }
0x58: {  	s1 =	rddreg [dreg:$0x7];
	[sflag:s10] =	ssyncadd.s32 $0xFFFFC000  }
0x59: {  	[hbm4b:s1+s2] =	stream.linear.scatter [tilespmem:s5], [sflag:$0x5], $0x4000, $0x38;
	[tilespmem:$0x11000] =	vst v63  }
0x5a: {  	_ =	swait.ge [sflag:s12], $0x4000  }
0x5b: {  	s1 =	sld [smem:$0x7F6]  }
0x5c: {  	[sflag:s12] =	ssyncset.done $0x0  }
0x5d: {  	[sflag:s12] =	ssyncadd.s32 $0xFFFFC000  }
0x5e: {  	[tilespmem:s14], [sflag:$0x3] =	stream.indirect.gather [hbm4b:s4+s6], $0x80, s1, s6, $0xb8;
	[tilespmem:$0x11000] =	vst v63  }
0x5f: {  	_ =	swait.ge [sflag:s9], $0x4000  }
0x60: {  	[sflag:s9] =	ssyncset.done $0x0  }
0x61: {  	s1 =	rddreg [dreg:$0x8];
	[sflag:s9] =	ssyncadd.s32 $0xFFFFC000  }
0x62: {  	[hbm4b:s1+s2] =	stream.linear.scatter [tilespmem:s3], [sflag:$0x6], $0x4000, $0x38;
	[tilespmem:$0x11000] =	vst v63  }
0x63: {  	_ =	swait.ge [sflag:s13], $0x4000  }
0x64: {  	s1 =	sld [smem:$0x7F7]  }
0x65: {  	[sflag:s13] =	ssyncset.done $0x0  }
0x66: {  	[sflag:s13] =	ssyncadd.s32 $0xFFFFC000  }
0x67: {  	[tilespmem:s11], [sflag:$0x4] =	stream.indirect.gather [hbm4b:s4+s6], $0x80, s1, s6, $0xb8;
	[tilespmem:$0x11000] =	vst v63  }
0x68: {  	_ =	swait.ge [sflag:s16], $0x4000  }
0x69: {  	[sflag:s16] =	ssyncset.done $0x0  }
0x6a: {  	s1 =	rddreg [dreg:$0x9];
	[sflag:s16] =	ssyncadd.s32 $0xFFFFC000  }
0x6b: {  	[hbm4b:s1+s2] =	stream.linear.scatter [tilespmem:s14], [sflag:$0x7], $0x4000, $0x38;
	[tilespmem:$0x11000] =	vst v63  }
0x6c: {  	_ =	swait.ge [sflag:s7], $0x4000  }
0x6d: {  	s1 =	sld [smem:$0x7F8]  }
0x6e: {  	[sflag:s7] =	ssyncset.done $0x0  }
0x6f: {  	[sflag:s7] =	ssyncadd.s32 $0xFFFFC000  }
0x70: {  	[tilespmem:s5], [sflag:$0x1] =	stream.indirect.gather [hbm4b:s4+s6], $0x80, s1, s6, $0xb8;
	[tilespmem:$0x11000] =	vst v63  }
0x71: {  	_ =	swait.ge [sflag:s15], $0x4000  }
0x72: {  	[sflag:s15] =	ssyncset.done $0x0  }
0x73: {  	s1 =	rddreg [dreg:$0xa];
	[sflag:s15] =	ssyncadd.s32 $0xFFFFC000  }
0x74: {  	[hbm4b:s1+s2] =	stream.linear.scatter [tilespmem:s11], [sflag:$0x8], $0x4000, $0x38;
	[tilespmem:$0x11000] =	vst v63  }
0x75: {  	_ =	swait.ge [sflag:s8], $0x4000  }
0x76: {  	s1 =	sld [smem:$0x7F9]  }
0x77: {  	[sflag:s8] =	ssyncset.done $0x0  }
0x78: {  	[sflag:s8] =	ssyncadd.s32 $0xFFFFC000  }
0x79: {  	[tilespmem:s3], [sflag:$0x2] =	stream.indirect.gather [hbm4b:s4+s6], $0x80, s1, s6, $0xb8;
	[tilespmem:$0x11000] =	vst v63  }
0x7a: {  	_ =	swait.ge [sflag:s10], $0x4000  }
0x7b: {  	[sflag:s10] =	ssyncset.done $0x0  }
0x7c: {  	s1 =	rddreg [dreg:$0xb];
	[sflag:s10] =	ssyncadd.s32 $0xFFFFC000  }
0x7d: {  	[hbm4b:s1+s2] =	stream.linear.scatter [tilespmem:s5], [sflag:$0x5], $0x4000, $0x38;
	[tilespmem:$0x11000] =	vst v63  }
0x7e: {  	_ =	swait.ge [sflag:s12], $0x4000  }
0x7f: {  	s1 =	sld [smem:$0x7FA]  }
0x80: {  	[sflag:s12] =	ssyncset.done $0x0  }
0x81: {  	[sflag:s12] =	ssyncadd.s32 $0xFFFFC000  }
0x82: {  	[tilespmem:s14], [sflag:$0x3] =	stream.indirect.gather [hbm4b:s4+s6], $0x80, s1, s6, $0xb8;
	[tilespmem:$0x11000] =	vst v63  }
0x83: {  	_ =	swait.ge [sflag:s9], $0x4000  }
0x84: {  	[sflag:s9] =	ssyncset.done $0x0  }
0x85: {  	s1 =	rddreg [dreg:$0xc];
	[sflag:s9] =	ssyncadd.s32 $0xFFFFC000  }
0x86: {  	[hbm4b:s1+s2] =	stream.linear.scatter [tilespmem:s3], [sflag:$0x6], $0x4000, $0x38;
	[tilespmem:$0x11000] =	vst v63  }
0x87: {  	_ =	swait.ge [sflag:s13], $0x4000  }
0x88: {  	s1 =	sld [smem:$0x7FB]  }
0x89: {  	[sflag:s13] =	ssyncset.done $0x0  }
0x8a: {  	[sflag:s13] =	ssyncadd.s32 $0xFFFFC000  }
0x8b: {  	[tilespmem:s11], [sflag:$0x4] =	stream.indirect.gather [hbm4b:s4+s6], $0x80, s1, s6, $0xb8;
	[tilespmem:$0x11000] =	vst v63  }
0x8c: {  	_ =	swait.ge [sflag:s16], $0x4000  }
0x8d: {  	[sflag:s16] =	ssyncset.done $0x0  }
0x8e: {  	s1 =	rddreg [dreg:$0xd];
	[sflag:s16] =	ssyncadd.s32 $0xFFFFC000  }
0x8f: {  	[hbm4b:s1+s2] =	stream.linear.scatter [tilespmem:s14], [sflag:$0x7], $0x4000, $0x38;
	[tilespmem:$0x11000] =	vst v63  }
0x90: {  	_ =	swait.ge [sflag:s7], $0x4000  }
0x91: {  	s1 =	sld [smem:$0x7FC]  }
0x92: {  	[sflag:s7] =	ssyncset.done $0x0  }
0x93: {  	[sflag:s7] =	ssyncadd.s32 $0xFFFFC000  }
0x94: {  	[tilespmem:s5], [sflag:$0x1] =	stream.indirect.gather [hbm4b:s4+s6], $0x80, s1, s6, $0xb8;
	[tilespmem:$0x11000] =	vst v63  }
0x95: {  	_ =	swait.ge [sflag:s15], $0x4000  }
0x96: {  	[sflag:s15] =	ssyncset.done $0x0  }
0x97: {  	s1 =	rddreg [dreg:$0xe];
	[sflag:s15] =	ssyncadd.s32 $0xFFFFC000  }
0x98: {  	[hbm4b:s1+s2] =	stream.linear.scatter [tilespmem:s11], [sflag:$0x8], $0x4000, $0x38;
	[tilespmem:$0x11000] =	vst v63  }
0x99: {  	_ =	swait.ge [sflag:s8], $0x4000  }
0x9a: {  	s1 =	sld [smem:$0x7FD]  }
0x9b: {  	[sflag:s8] =	ssyncset.done $0x0  }
0x9c: {  	[sflag:s8] =	ssyncadd.s32 $0xFFFFC000  }
0x9d: {  	[tilespmem:s3], [sflag:$0x2] =	stream.indirect.gather [hbm4b:s4+s6], $0x80, s1, s6, $0xb8;
	[tilespmem:$0x11000] =	vst v63  }
0x9e: {  	_ =	swait.ge [sflag:s10], $0x4000  }
0x9f: {  	[sflag:s10] =	ssyncset.done $0x0  }
0xa0: {  	s1 =	rddreg [dreg:$0xf];
	[sflag:s10] =	ssyncadd.s32 $0xFFFFC000  }
0xa1: {  	[hbm4b:s1+s2] =	stream.linear.scatter [tilespmem:s5], [sflag:$0x5], $0x4000, $0x38;
	[tilespmem:$0x11000] =	vst v63  }
0xa2: {  	_ =	swait.ge [sflag:s12], $0x4000  }
0xa3: {  	[sflag:s12] =	ssyncset.done $0x0  }
0xa4: {  	s1 =	simm.s32 $0x700;
	[sflag:s12] =	ssyncadd.s32 $0xFFFFC000  }
0xa5: {  	[tilespmem:s14], [sflag:$0x3] =	stream.indirect.gather [hbm4b:s4+s6], $0x80, s1, s6, $0xb8;
	[tilespmem:$0x11000] =	vst v63  }
0xa6: {  	_ =	swait.ge [sflag:s9], $0x4000  }
0xa7: {  	[sflag:s9] =	ssyncset.done $0x0  }
0xa8: {  	s1 =	rddreg [dreg:$0x10];
	[sflag:s9] =	ssyncadd.s32 $0xFFFFC000  }
0xa9: {  	[hbm4b:s1+s2] =	stream.linear.scatter [tilespmem:s3], [sflag:$0x6], $0x4000, $0x38;
	[tilespmem:$0x11000] =	vst v63  }
0xaa: {  	_ =	swait.ge [sflag:s13], $0x4000  }
0xab: {  	[sflag:s13] =	ssyncset.done $0x0  }
0xac: {  	[sflag:s13] =	ssyncadd.s32 $0xFFFFC000  }
0xad: {  	[tilespmem:s11], [sflag:$0x4] =	stream.indirect.gather [hbm4b:s4+s6], $0x80, s29, s6, $0xb8;
	[tilespmem:$0x11000] =	vst v63  }
0xae: {  	_ =	swait.ge [sflag:s16], $0x4000  }
0xaf: {  	[sflag:s16] =	ssyncset.done $0x0  }
0xb0: {  	s1 =	rddreg [dreg:$0x11];
	[sflag:s16] =	ssyncadd.s32 $0xFFFFC000  }
0xb1: {  	[hbm4b:s1+s2] =	stream.linear.scatter [tilespmem:s14], [sflag:$0x7], $0x4000, $0x38;
	[tilespmem:$0x11000] =	vst v63  }
0xb2: {  	_ =	swait.ge [sflag:s7], $0x4000  }
0xb3: {  	[sflag:s7] =	ssyncset.done $0x0  }
0xb4: {  	[sflag:s7] =	ssyncadd.s32 $0xFFFFC000  }
0xb5: {  	[tilespmem:s5], [sflag:$0x1] =	stream.indirect.gather [hbm4b:s4+s6], $0x80, s28, s6, $0xb8;
	[tilespmem:$0x11000] =	vst v63  }
0xb6: {  	_ =	swait.ge [sflag:s15], $0x4000  }
0xb7: {  	[sflag:s15] =	ssyncset.done $0x0  }
0xb8: {  	s1 =	rddreg [dreg:$0x12];
	[sflag:s15] =	ssyncadd.s32 $0xFFFFC000  }
0xb9: {  	[hbm4b:s1+s2] =	stream.linear.scatter [tilespmem:s11], [sflag:$0x8], $0x4000, $0x38;
	[tilespmem:$0x11000] =	vst v63  }
0xba: {  	_ =	swait.ge [sflag:s8], $0x4000  }
0xbb: {  	[sflag:s8] =	ssyncset.done $0x0  }
0xbc: {  	[sflag:s8] =	ssyncadd.s32 $0xFFFFC000  }
0xbd: {  	[tilespmem:s3], [sflag:$0x2] =	stream.indirect.gather [hbm4b:s4+s6], $0x80, s26, s6, $0xb8;
	[tilespmem:$0x11000] =	vst v63  }
0xbe: {  	_ =	swait.ge [sflag:s10], $0x4000  }
0xbf: {  	[sflag:s10] =	ssyncset.done $0x0  }
0xc0: {  	s1 =	rddreg [dreg:$0x13];
	[sflag:s10] =	ssyncadd.s32 $0xFFFFC000  }
0xc1: {  	[hbm4b:s1+s2] =	stream.linear.scatter [tilespmem:s5], [sflag:$0x5], $0x4000, $0x38;
	[tilespmem:$0x11000] =	vst v63  }
0xc2: {  	_ =	swait.ge [sflag:s12], $0x4000  }
0xc3: {  	[sflag:s12] =	ssyncset.done $0x0  }
0xc4: {  	[sflag:s12] =	ssyncadd.s32 $0xFFFFC000  }
0xc5: {  	[tilespmem:s14], [sflag:$0x3] =	stream.indirect.gather [hbm4b:s4+s6], $0x80, s25, s6, $0xb8;
	[tilespmem:$0x11000] =	vst v63  }
0xc6: {  	_ =	swait.ge [sflag:s9], $0x4000  }
0xc7: {  	[sflag:s9] =	ssyncset.done $0x0  }
0xc8: {  	s1 =	rddreg [dreg:$0x14];
	[sflag:s9] =	ssyncadd.s32 $0xFFFFC000  }
0xc9: {  	[hbm4b:s1+s2] =	stream.linear.scatter [tilespmem:s3], [sflag:$0x6], $0x4000, $0x38;
	[tilespmem:$0x11000] =	vst v63  }
0xca: {  	_ =	swait.ge [sflag:s13], $0x4000  }
0xcb: {  	[sflag:s13] =	ssyncset.done $0x0  }
0xcc: {  	[sflag:s13] =	ssyncadd.s32 $0xFFFFC000  }
0xcd: {  	[tilespmem:s11], [sflag:$0x4] =	stream.indirect.gather [hbm4b:s4+s6], $0x80, s24, s6, $0xb8;
	[tilespmem:$0x11000] =	vst v63  }
0xce: {  	_ =	swait.ge [sflag:s16], $0x4000  }
0xcf: {  	[sflag:s16] =	ssyncset.done $0x0  }
0xd0: {  	s1 =	rddreg [dreg:$0x15];
	[sflag:s16] =	ssyncadd.s32 $0xFFFFC000  }
0xd1: {  	[hbm4b:s1+s2] =	stream.linear.scatter [tilespmem:s14], [sflag:$0x7], $0x4000, $0x38;
	[tilespmem:$0x11000] =	vst v63  }
0xd2: {  	_ =	swait.ge [sflag:s7], $0x4000  }
0xd3: {  	[sflag:s7] =	ssyncset.done $0x0  }
0xd4: {  	[sflag:s7] =	ssyncadd.s32 $0xFFFFC000  }
0xd5: {  	[tilespmem:s5], [sflag:$0x1] =	stream.indirect.gather [hbm4b:s4+s6], $0x80, s23, s6, $0xb8;
	[tilespmem:$0x11000] =	vst v63  }
0xd6: {  	_ =	swait.ge [sflag:s15], $0x4000  }
0xd7: {  	[sflag:s15] =	ssyncset.done $0x0  }
0xd8: {  	s1 =	rddreg [dreg:$0x16];
	[sflag:s15] =	ssyncadd.s32 $0xFFFFC000  }
0xd9: {  	[hbm4b:s1+s2] =	stream.linear.scatter [tilespmem:s11], [sflag:$0x8], $0x4000, $0x38;
	[tilespmem:$0x11000] =	vst v63  }
0xda: {  	_ =	swait.ge [sflag:s8], $0x4000  }
0xdb: {  	[sflag:s8] =	ssyncset.done $0x0  }
0xdc: {  	[sflag:s8] =	ssyncadd.s32 $0xFFFFC000  }
0xdd: {  	[tilespmem:s3], [sflag:$0x2] =	stream.indirect.gather [hbm4b:s4+s6], $0x80, s22, s6, $0xb8;
	[tilespmem:$0x11000] =	vst v63  }
0xde: {  	_ =	swait.ge [sflag:s10], $0x4000  }
0xdf: {  	[sflag:s10] =	ssyncset.done $0x0  }
0xe0: {  	s1 =	rddreg [dreg:$0x17];
	[sflag:s10] =	ssyncadd.s32 $0xFFFFC000  }
0xe1: {  	[hbm4b:s1+s2] =	stream.linear.scatter [tilespmem:s5], [sflag:$0x5], $0x4000, $0x38;
	[tilespmem:$0x11000] =	vst v63  }
0xe2: {  	_ =	swait.ge [sflag:s12], $0x4000  }
0xe3: {  	[sflag:s12] =	ssyncset.done $0x0  }
0xe4: {  	[sflag:s12] =	ssyncadd.s32 $0xFFFFC000  }
0xe5: {  	[tilespmem:s14], [sflag:$0x3] =	stream.indirect.gather [hbm4b:s4+s6], $0x80, s21, s6, $0xb8;
	[tilespmem:$0x11000] =	vst v63  }
0xe6: {  	_ =	swait.ge [sflag:s9], $0x4000  }
0xe7: {  	[sflag:s9] =	ssyncset.done $0x0  }
0xe8: {  	s1 =	rddreg [dreg:$0x18];
	[sflag:s9] =	ssyncadd.s32 $0xFFFFC000  }
0xe9: {  	[hbm4b:s1+s2] =	stream.linear.scatter [tilespmem:s3], [sflag:$0x6], $0x4000, $0x38;
	[tilespmem:$0x11000] =	vst v63  }
0xea: {  	_ =	swait.ge [sflag:s13], $0x4000  }
0xeb: {  	[sflag:s13] =	ssyncset.done $0x0  }
0xec: {  	[sflag:s13] =	ssyncadd.s32 $0xFFFFC000  }
0xed: {  	[tilespmem:s11], [sflag:$0x4] =	stream.indirect.gather [hbm4b:s4+s6], $0x80, s20, s6, $0xb8;
	[tilespmem:$0x11000] =	vst v63  }
0xee: {  	_ =	swait.ge [sflag:s16], $0x4000  }
0xef: {  	[sflag:s16] =	ssyncset.done $0x0  }
0xf0: {  	s1 =	rddreg [dreg:$0x19];
	[sflag:s16] =	ssyncadd.s32 $0xFFFFC000  }
0xf1: {  	[hbm4b:s1+s2] =	stream.linear.scatter [tilespmem:s14], [sflag:$0x7], $0x4000, $0x38;
	[tilespmem:$0x11000] =	vst v63  }
0xf2: {  	_ =	swait.ge [sflag:s7], $0x4000  }
0xf3: {  	[sflag:s7] =	ssyncset.done $0x0  }
0xf4: {  	[sflag:s7] =	ssyncadd.s32 $0xFFFFC000  }
0xf5: {  	[tilespmem:s5], [sflag:$0x1] =	stream.indirect.gather [hbm4b:s4+s6], $0x80, s19, s6, $0xb8;
	[tilespmem:$0x11000] =	vst v63  }
0xf6: {  	_ =	swait.ge [sflag:s15], $0x4000  }
0xf7: {  	[sflag:s15] =	ssyncset.done $0x0  }
0xf8: {  	s1 =	rddreg [dreg:$0x1a];
	[sflag:s15] =	ssyncadd.s32 $0xFFFFC000  }
0xf9: {  	[hbm4b:s1+s2] =	stream.linear.scatter [tilespmem:s11], [sflag:$0x8], $0x4000, $0x38;
	[tilespmem:$0x11000] =	vst v63  }
0xfa: {  	_ =	swait.ge [sflag:s8], $0x4000  }
0xfb: {  	[sflag:s8] =	ssyncset.done $0x0  }
0xfc: {  	[sflag:s8] =	ssyncadd.s32 $0xFFFFC000  }
0xfd: {  	[tilespmem:s3], [sflag:$0x2] =	stream.indirect.gather [hbm4b:s4+s6], $0x80, s18, s6, $0xb8;
	[tilespmem:$0x11000] =	vst v63  }
0xfe: {  	_ =	swait.ge [sflag:s10], $0x4000  }
0xff: {  	[sflag:s10] =	ssyncset.done $0x0  }
0x100: {  	s1 =	rddreg [dreg:$0x1b];
	[sflag:s10] =	ssyncadd.s32 $0xFFFFC000  }
0x101: {  	[hbm4b:s1+s2] =	stream.linear.scatter [tilespmem:s5], [sflag:$0x5], $0x4000, $0x38;
	[tilespmem:$0x11000] =	vst v63  }
0x102: {  	_ =	swait.ge [sflag:s9], $0x4000  }
0x103: {  	[sflag:s9] =	ssyncset.done $0x0  }
0x104: {  	s1 =	rddreg [dreg:$0x1c];
	[sflag:s9] =	ssyncadd.s32 $0xFFFFC000  }
0x105: {  	[hbm4b:s1+s2] =	stream.linear.scatter [tilespmem:s3], [sflag:$0x6], $0x4000, $0x38;
	[tilespmem:$0x11000] =	vst v63  }
0x106: {  	_ =	swait.ge [sflag:s12], $0x4000  }
0x107: {  	[sflag:s12] =	ssyncset.done $0x0  }
0x108: {  	[sflag:s12] =	ssyncadd.s32 $0xFFFFC000  }
0x109: {  	_ =	swait.ge [sflag:s13], $0x4000  }
0x10a: {  	[sflag:s13] =	ssyncset.done $0x0  }
0x10b: {  	p1 =	sne.s32 s17, $0x1;
	[sflag:s13] =	ssyncadd.s32 $0xFFFFC000  }
.Ltmp1:
0x10c: {  	_ =	swait.ge [sflag:s7], $0x4000;
	(pc) =	sbr.rel @!p1 .LBB2_3-.Ltmp1, $4  }
0x10d: {  	[sflag:s7] =	ssyncset.done $0x0  }
0x10e: {  	[sflag:s7] =	ssyncadd.s32 $0xFFFFC000  }
0x10f: {  	p0 =	por $0x1, $0x1;
	_ =	swait.ge [sflag:s8], $0x4000  }
0x110: {  	s1 =	sadd.s32 $0xFFFFFFFF, s17;
	s0 =	rddreg [dreg:$0x3];
	[sflag:s8] =	ssyncset.done $0x0  }
.LBB2_4:
0x111: {  	[sflag:s8] =	ssyncadd.s32 $0xFFFFC000  }
0x112: {  	[tilespmem:s2], [sflag:$0x9] =	stream.linear.gather [hbm4b:s0+s2], $0xD00, $0x38;
	[tilespmem:$0x11000] =	vst v63  }
0x113: {  	_ =	swait.ge [sflag:s31], $0xD00  }
0x114: {  	[sflag:s31] =	ssyncset.done $0x0  }
0x115: {  	[sflag:s31] =	ssyncadd.s32 $0xFFFFF300  }
0x116: {  	[tilespmem:s5], [sflag:$0x1] =	stream.indirect.gather [hbm4b:s4+s6], $0x80, s2, s6, $0xb8;
	[tilespmem:$0x11000] =	vst v63  }
0x117: {  	_ = 	snop  }
0x118: {  	[tilespmem:s3], [sflag:$0x2] =	stream.indirect.gather [hbm4b:s4+s6], $0x80, s6, s6, $0xb8;
	[tilespmem:$0x11000] =	vst v63  }
0x119: {  	s0 =	rddreg [dreg:$0x1d]  }
0x11a: {  	[tilespmem:s14], [sflag:$0x3] =	stream.indirect.gather [hbm4b:s4+s6], $0x80, s0, s6, $0xb8;
	[tilespmem:$0x11000] =	vst v63  }
0x11b: {  	s17 =	rddreg [dreg:$0x1e]  }
0x11c: {  	[tilespmem:s11], [sflag:$0x4] =	stream.indirect.gather [hbm4b:s4+s6], $0x80, s17, s6, $0xb8;
	[tilespmem:$0x11000] =	vst v63  }
0x11d: {  	_ =	swait.ge [sflag:s10], $0x4000  }
0x11e: {  	[sflag:s10] =	ssyncset.done $0x0  }
0x11f: {  	[sflag:s10] =	ssyncadd.s32 $0xFFFFC000  }
0x120: {  	[hbm4b:s30+s2] =	stream.linear.scatter [tilespmem:s5], [sflag:$0x5], $0x4000, $0x38;
	[tilespmem:$0x11000] =	vst v63  }
0x121: {  	_ =	swait.ge [sflag:s9], $0x4000  }
0x122: {  	[sflag:s9] =	ssyncset.done $0x0  }
0x123: {  	s17 =	rddreg [dreg:$0x4];
	[sflag:s9] =	ssyncadd.s32 $0xFFFFC000  }
0x124: {  	[hbm4b:s17+s2] =	stream.linear.scatter [tilespmem:s3], [sflag:$0x6], $0x4000, $0x38;
	[tilespmem:$0x11000] =	vst v63  }
0x125: {  	_ =	swait.ge [sflag:s16], $0x4000  }
0x126: {  	[sflag:s16] =	ssyncset.done $0x0  }
0x127: {  	s17 =	rddreg [dreg:$0x5];
	[sflag:s16] =	ssyncadd.s32 $0xFFFFC000  }
0x128: {  	[hbm4b:s17+s2] =	stream.linear.scatter [tilespmem:s14], [sflag:$0x7], $0x4000, $0x38;
	[tilespmem:$0x11000] =	vst v63  }
0x129: {  	_ =	swait.ge [sflag:s7], $0x4000  }
0x12a: {  	[sflag:s7] =	ssyncset.done $0x0  }
0x12b: {  	s17 =	rddreg [dreg:$0x1f];
	[sflag:s7] =	ssyncadd.s32 $0xFFFFC000  }
0x12c: {  	[tilespmem:s5], [sflag:$0x1] =	stream.indirect.gather [hbm4b:s4+s6], $0x80, s17, s6, $0xb8;
	[tilespmem:$0x11000] =	vst v63  }
0x12d: {  	_ =	swait.ge [sflag:s15], $0x4000  }
0x12e: {  	[sflag:s15] =	ssyncset.done $0x0  }
0x12f: {  	s17 =	rddreg [dreg:$0x6];
	[sflag:s15] =	ssyncadd.s32 $0xFFFFC000  }
0x130: {  	[hbm4b:s17+s2] =	stream.linear.scatter [tilespmem:s11], [sflag:$0x8], $0x4000, $0x38;
	[tilespmem:$0x11000] =	vst v63  }
0x131: {  	_ =	swait.ge [sflag:s8], $0x4000  }
0x132: {  	s17 =	sld [smem:$0x7F5]  }
0x133: {  	[sflag:s8] =	ssyncset.done $0x0  }
0x134: {  	[sflag:s8] =	ssyncadd.s32 $0xFFFFC000  }
0x135: {  	[tilespmem:s3], [sflag:$0x2] =	stream.indirect.gather [hbm4b:s4+s6], $0x80, s17, s6, $0xb8;
	[tilespmem:$0x11000] =	vst v63  }
0x136: {  	_ =	swait.ge [sflag:s10], $0x4000  }
0x137: {  	[sflag:s10] =	ssyncset.done $0x0  }
0x138: {  	s17 =	rddreg [dreg:$0x7];
	[sflag:s10] =	ssyncadd.s32 $0xFFFFC000  }
0x139: {  	[hbm4b:s17+s2] =	stream.linear.scatter [tilespmem:s5], [sflag:$0x5], $0x4000, $0x38;
	[tilespmem:$0x11000] =	vst v63  }
0x13a: {  	_ =	swait.ge [sflag:s12], $0x4000  }
0x13b: {  	s17 =	sld [smem:$0x7F6]  }
0x13c: {  	[sflag:s12] =	ssyncset.done $0x0  }
0x13d: {  	[sflag:s12] =	ssyncadd.s32 $0xFFFFC000  }
0x13e: {  	[tilespmem:s14], [sflag:$0x3] =	stream.indirect.gather [hbm4b:s4+s6], $0x80, s17, s6, $0xb8;
	[tilespmem:$0x11000] =	vst v63  }
0x13f: {  	_ =	swait.ge [sflag:s9], $0x4000  }
0x140: {  	[sflag:s9] =	ssyncset.done $0x0  }
0x141: {  	s17 =	rddreg [dreg:$0x8];
	[sflag:s9] =	ssyncadd.s32 $0xFFFFC000  }
0x142: {  	[hbm4b:s17+s2] =	stream.linear.scatter [tilespmem:s3], [sflag:$0x6], $0x4000, $0x38;
	[tilespmem:$0x11000] =	vst v63  }
0x143: {  	_ =	swait.ge [sflag:s13], $0x4000  }
0x144: {  	s17 =	sld [smem:$0x7F7]  }
0x145: {  	[sflag:s13] =	ssyncset.done $0x0  }
0x146: {  	[sflag:s13] =	ssyncadd.s32 $0xFFFFC000  }
0x147: {  	[tilespmem:s11], [sflag:$0x4] =	stream.indirect.gather [hbm4b:s4+s6], $0x80, s17, s6, $0xb8;
	[tilespmem:$0x11000] =	vst v63  }
0x148: {  	_ =	swait.ge [sflag:s16], $0x4000  }
0x149: {  	[sflag:s16] =	ssyncset.done $0x0  }
0x14a: {  	s17 =	rddreg [dreg:$0x9];
	[sflag:s16] =	ssyncadd.s32 $0xFFFFC000  }
0x14b: {  	[hbm4b:s17+s2] =	stream.linear.scatter [tilespmem:s14], [sflag:$0x7], $0x4000, $0x38;
	[tilespmem:$0x11000] =	vst v63  }
0x14c: {  	_ =	swait.ge [sflag:s7], $0x4000  }
0x14d: {  	s17 =	sld [smem:$0x7F8]  }
0x14e: {  	[sflag:s7] =	ssyncset.done $0x0  }
0x14f: {  	[sflag:s7] =	ssyncadd.s32 $0xFFFFC000  }
0x150: {  	[tilespmem:s5], [sflag:$0x1] =	stream.indirect.gather [hbm4b:s4+s6], $0x80, s17, s6, $0xb8;
	[tilespmem:$0x11000] =	vst v63  }
0x151: {  	_ =	swait.ge [sflag:s15], $0x4000  }
0x152: {  	[sflag:s15] =	ssyncset.done $0x0  }
0x153: {  	s17 =	rddreg [dreg:$0xa];
	[sflag:s15] =	ssyncadd.s32 $0xFFFFC000  }
0x154: {  	[hbm4b:s17+s2] =	stream.linear.scatter [tilespmem:s11], [sflag:$0x8], $0x4000, $0x38;
	[tilespmem:$0x11000] =	vst v63  }
0x155: {  	_ =	swait.ge [sflag:s8], $0x4000  }
0x156: {  	s17 =	sld [smem:$0x7F9]  }
0x157: {  	[sflag:s8] =	ssyncset.done $0x0  }
0x158: {  	[sflag:s8] =	ssyncadd.s32 $0xFFFFC000  }
0x159: {  	[tilespmem:s3], [sflag:$0x2] =	stream.indirect.gather [hbm4b:s4+s6], $0x80, s17, s6, $0xb8;
	[tilespmem:$0x11000] =	vst v63  }
0x15a: {  	_ =	swait.ge [sflag:s10], $0x4000  }
0x15b: {  	[sflag:s10] =	ssyncset.done $0x0  }
0x15c: {  	s17 =	rddreg [dreg:$0xb];
	[sflag:s10] =	ssyncadd.s32 $0xFFFFC000  }
0x15d: {  	[hbm4b:s17+s2] =	stream.linear.scatter [tilespmem:s5], [sflag:$0x5], $0x4000, $0x38;
	[tilespmem:$0x11000] =	vst v63  }
0x15e: {  	_ =	swait.ge [sflag:s12], $0x4000  }
0x15f: {  	s17 =	sld [smem:$0x7FA]  }
0x160: {  	[sflag:s12] =	ssyncset.done $0x0  }
0x161: {  	[sflag:s12] =	ssyncadd.s32 $0xFFFFC000  }
0x162: {  	[tilespmem:s14], [sflag:$0x3] =	stream.indirect.gather [hbm4b:s4+s6], $0x80, s17, s6, $0xb8;
	[tilespmem:$0x11000] =	vst v63  }
0x163: {  	_ =	swait.ge [sflag:s9], $0x4000  }
0x164: {  	[sflag:s9] =	ssyncset.done $0x0  }
0x165: {  	s17 =	rddreg [dreg:$0xc];
	[sflag:s9] =	ssyncadd.s32 $0xFFFFC000  }
0x166: {  	[hbm4b:s17+s2] =	stream.linear.scatter [tilespmem:s3], [sflag:$0x6], $0x4000, $0x38;
	[tilespmem:$0x11000] =	vst v63  }
0x167: {  	_ =	swait.ge [sflag:s13], $0x4000  }
0x168: {  	s17 =	sld [smem:$0x7FB]  }
0x169: {  	[sflag:s13] =	ssyncset.done $0x0  }
0x16a: {  	[sflag:s13] =	ssyncadd.s32 $0xFFFFC000  }
0x16b: {  	[tilespmem:s11], [sflag:$0x4] =	stream.indirect.gather [hbm4b:s4+s6], $0x80, s17, s6, $0xb8;
	[tilespmem:$0x11000] =	vst v63  }
0x16c: {  	_ =	swait.ge [sflag:s16], $0x4000  }
0x16d: {  	[sflag:s16] =	ssyncset.done $0x0  }
0x16e: {  	s17 =	rddreg [dreg:$0xd];
	[sflag:s16] =	ssyncadd.s32 $0xFFFFC000  }
0x16f: {  	[hbm4b:s17+s2] =	stream.linear.scatter [tilespmem:s14], [sflag:$0x7], $0x4000, $0x38;
	[tilespmem:$0x11000] =	vst v63  }
0x170: {  	_ =	swait.ge [sflag:s7], $0x4000  }
0x171: {  	s17 =	sld [smem:$0x7FC]  }
0x172: {  	[sflag:s7] =	ssyncset.done $0x0  }
0x173: {  	[sflag:s7] =	ssyncadd.s32 $0xFFFFC000  }
0x174: {  	[tilespmem:s5], [sflag:$0x1] =	stream.indirect.gather [hbm4b:s4+s6], $0x80, s17, s6, $0xb8;
	[tilespmem:$0x11000] =	vst v63  }
0x175: {  	_ =	swait.ge [sflag:s15], $0x4000  }
0x176: {  	[sflag:s15] =	ssyncset.done $0x0  }
0x177: {  	s17 =	rddreg [dreg:$0xe];
	[sflag:s15] =	ssyncadd.s32 $0xFFFFC000  }
0x178: {  	[hbm4b:s17+s2] =	stream.linear.scatter [tilespmem:s11], [sflag:$0x8], $0x4000, $0x38;
	[tilespmem:$0x11000] =	vst v63  }
0x179: {  	_ =	swait.ge [sflag:s8], $0x4000  }
0x17a: {  	s17 =	sld [smem:$0x7FD]  }
0x17b: {  	[sflag:s8] =	ssyncset.done $0x0  }
0x17c: {  	[sflag:s8] =	ssyncadd.s32 $0xFFFFC000  }
0x17d: {  	[tilespmem:s3], [sflag:$0x2] =	stream.indirect.gather [hbm4b:s4+s6], $0x80, s17, s6, $0xb8;
	[tilespmem:$0x11000] =	vst v63  }
0x17e: {  	_ =	swait.ge [sflag:s10], $0x4000  }
0x17f: {  	[sflag:s10] =	ssyncset.done $0x0  }
0x180: {  	s17 =	rddreg [dreg:$0xf];
	[sflag:s10] =	ssyncadd.s32 $0xFFFFC000  }
0x181: {  	[hbm4b:s17+s2] =	stream.linear.scatter [tilespmem:s5], [sflag:$0x5], $0x4000, $0x38;
	[tilespmem:$0x11000] =	vst v63  }
0x182: {  	_ =	swait.ge [sflag:s12], $0x4000  }
0x183: {  	[sflag:s12] =	ssyncset.done $0x0  }
0x184: {  	s17 =	simm.s32 $0x700;
	[sflag:s12] =	ssyncadd.s32 $0xFFFFC000  }
0x185: {  	[tilespmem:s14], [sflag:$0x3] =	stream.indirect.gather [hbm4b:s4+s6], $0x80, s17, s6, $0xb8;
	[tilespmem:$0x11000] =	vst v63  }
0x186: {  	_ =	swait.ge [sflag:s9], $0x4000  }
0x187: {  	[sflag:s9] =	ssyncset.done $0x0  }
0x188: {  	s17 =	rddreg [dreg:$0x10];
	[sflag:s9] =	ssyncadd.s32 $0xFFFFC000  }
0x189: {  	[hbm4b:s17+s2] =	stream.linear.scatter [tilespmem:s3], [sflag:$0x6], $0x4000, $0x38;
	[tilespmem:$0x11000] =	vst v63  }
0x18a: {  	_ =	swait.ge [sflag:s13], $0x4000  }
0x18b: {  	[sflag:s13] =	ssyncset.done $0x0  }
0x18c: {  	[sflag:s13] =	ssyncadd.s32 $0xFFFFC000  }
0x18d: {  	[tilespmem:s11], [sflag:$0x4] =	stream.indirect.gather [hbm4b:s4+s6], $0x80, s29, s6, $0xb8;
	[tilespmem:$0x11000] =	vst v63  }
0x18e: {  	_ =	swait.ge [sflag:s16], $0x4000  }
0x18f: {  	[sflag:s16] =	ssyncset.done $0x0  }
0x190: {  	s17 =	rddreg [dreg:$0x11];
	[sflag:s16] =	ssyncadd.s32 $0xFFFFC000  }
0x191: {  	[hbm4b:s17+s2] =	stream.linear.scatter [tilespmem:s14], [sflag:$0x7], $0x4000, $0x38;
	[tilespmem:$0x11000] =	vst v63  }
0x192: {  	_ =	swait.ge [sflag:s7], $0x4000  }
0x193: {  	[sflag:s7] =	ssyncset.done $0x0  }
0x194: {  	[sflag:s7] =	ssyncadd.s32 $0xFFFFC000  }
0x195: {  	[tilespmem:s5], [sflag:$0x1] =	stream.indirect.gather [hbm4b:s4+s6], $0x80, s28, s6, $0xb8;
	[tilespmem:$0x11000] =	vst v63  }
0x196: {  	_ =	swait.ge [sflag:s15], $0x4000  }
0x197: {  	[sflag:s15] =	ssyncset.done $0x0  }
0x198: {  	s17 =	rddreg [dreg:$0x12];
	[sflag:s15] =	ssyncadd.s32 $0xFFFFC000  }
0x199: {  	[hbm4b:s17+s2] =	stream.linear.scatter [tilespmem:s11], [sflag:$0x8], $0x4000, $0x38;
	[tilespmem:$0x11000] =	vst v63  }
0x19a: {  	_ =	swait.ge [sflag:s8], $0x4000  }
0x19b: {  	[sflag:s8] =	ssyncset.done $0x0  }
0x19c: {  	[sflag:s8] =	ssyncadd.s32 $0xFFFFC000  }
0x19d: {  	[tilespmem:s3], [sflag:$0x2] =	stream.indirect.gather [hbm4b:s4+s6], $0x80, s26, s6, $0xb8;
	[tilespmem:$0x11000] =	vst v63  }
0x19e: {  	_ =	swait.ge [sflag:s10], $0x4000  }
0x19f: {  	[sflag:s10] =	ssyncset.done $0x0  }
0x1a0: {  	s17 =	rddreg [dreg:$0x13];
	[sflag:s10] =	ssyncadd.s32 $0xFFFFC000  }
0x1a1: {  	[hbm4b:s17+s2] =	stream.linear.scatter [tilespmem:s5], [sflag:$0x5], $0x4000, $0x38;
	[tilespmem:$0x11000] =	vst v63  }
0x1a2: {  	_ =	swait.ge [sflag:s12], $0x4000  }
0x1a3: {  	[sflag:s12] =	ssyncset.done $0x0  }
0x1a4: {  	[sflag:s12] =	ssyncadd.s32 $0xFFFFC000  }
0x1a5: {  	[tilespmem:s14], [sflag:$0x3] =	stream.indirect.gather [hbm4b:s4+s6], $0x80, s25, s6, $0xb8;
	[tilespmem:$0x11000] =	vst v63  }
0x1a6: {  	_ =	swait.ge [sflag:s9], $0x4000  }
0x1a7: {  	[sflag:s9] =	ssyncset.done $0x0  }
0x1a8: {  	s17 =	rddreg [dreg:$0x14];
	[sflag:s9] =	ssyncadd.s32 $0xFFFFC000  }
0x1a9: {  	[hbm4b:s17+s2] =	stream.linear.scatter [tilespmem:s3], [sflag:$0x6], $0x4000, $0x38;
	[tilespmem:$0x11000] =	vst v63  }
0x1aa: {  	_ =	swait.ge [sflag:s13], $0x4000  }
0x1ab: {  	[sflag:s13] =	ssyncset.done $0x0  }
0x1ac: {  	[sflag:s13] =	ssyncadd.s32 $0xFFFFC000  }
0x1ad: {  	[tilespmem:s11], [sflag:$0x4] =	stream.indirect.gather [hbm4b:s4+s6], $0x80, s24, s6, $0xb8;
	[tilespmem:$0x11000] =	vst v63  }
0x1ae: {  	_ =	swait.ge [sflag:s16], $0x4000  }
0x1af: {  	[sflag:s16] =	ssyncset.done $0x0  }
0x1b0: {  	s17 =	rddreg [dreg:$0x15];
	[sflag:s16] =	ssyncadd.s32 $0xFFFFC000  }
0x1b1: {  	[hbm4b:s17+s2] =	stream.linear.scatter [tilespmem:s14], [sflag:$0x7], $0x4000, $0x38;
	[tilespmem:$0x11000] =	vst v63  }
0x1b2: {  	_ =	swait.ge [sflag:s7], $0x4000  }
0x1b3: {  	[sflag:s7] =	ssyncset.done $0x0  }
0x1b4: {  	[sflag:s7] =	ssyncadd.s32 $0xFFFFC000  }
0x1b5: {  	[tilespmem:s5], [sflag:$0x1] =	stream.indirect.gather [hbm4b:s4+s6], $0x80, s23, s6, $0xb8;
	[tilespmem:$0x11000] =	vst v63  }
0x1b6: {  	_ =	swait.ge [sflag:s15], $0x4000  }
0x1b7: {  	[sflag:s15] =	ssyncset.done $0x0  }
0x1b8: {  	s17 =	rddreg [dreg:$0x16];
	[sflag:s15] =	ssyncadd.s32 $0xFFFFC000  }
0x1b9: {  	[hbm4b:s17+s2] =	stream.linear.scatter [tilespmem:s11], [sflag:$0x8], $0x4000, $0x38;
	[tilespmem:$0x11000] =	vst v63  }
0x1ba: {  	_ =	swait.ge [sflag:s8], $0x4000  }
0x1bb: {  	[sflag:s8] =	ssyncset.done $0x0  }
0x1bc: {  	[sflag:s8] =	ssyncadd.s32 $0xFFFFC000  }
0x1bd: {  	[tilespmem:s3], [sflag:$0x2] =	stream.indirect.gather [hbm4b:s4+s6], $0x80, s22, s6, $0xb8;
	[tilespmem:$0x11000] =	vst v63  }
0x1be: {  	_ =	swait.ge [sflag:s10], $0x4000  }
0x1bf: {  	[sflag:s10] =	ssyncset.done $0x0  }
0x1c0: {  	s17 =	rddreg [dreg:$0x17];
	[sflag:s10] =	ssyncadd.s32 $0xFFFFC000  }
0x1c1: {  	[hbm4b:s17+s2] =	stream.linear.scatter [tilespmem:s5], [sflag:$0x5], $0x4000, $0x38;
	[tilespmem:$0x11000] =	vst v63  }
0x1c2: {  	_ =	swait.ge [sflag:s12], $0x4000  }
0x1c3: {  	[sflag:s12] =	ssyncset.done $0x0  }
0x1c4: {  	[sflag:s12] =	ssyncadd.s32 $0xFFFFC000  }
0x1c5: {  	[tilespmem:s14], [sflag:$0x3] =	stream.indirect.gather [hbm4b:s4+s6], $0x80, s21, s6, $0xb8;
	[tilespmem:$0x11000] =	vst v63  }
0x1c6: {  	_ =	swait.ge [sflag:s9], $0x4000  }
0x1c7: {  	[sflag:s9] =	ssyncset.done $0x0  }
0x1c8: {  	s17 =	rddreg [dreg:$0x18];
	[sflag:s9] =	ssyncadd.s32 $0xFFFFC000  }
0x1c9: {  	[hbm4b:s17+s2] =	stream.linear.scatter [tilespmem:s3], [sflag:$0x6], $0x4000, $0x38;
	[tilespmem:$0x11000] =	vst v63  }
0x1ca: {  	_ =	swait.ge [sflag:s13], $0x4000  }
0x1cb: {  	[sflag:s13] =	ssyncset.done $0x0  }
0x1cc: {  	[sflag:s13] =	ssyncadd.s32 $0xFFFFC000  }
0x1cd: {  	[tilespmem:s11], [sflag:$0x4] =	stream.indirect.gather [hbm4b:s4+s6], $0x80, s20, s6, $0xb8;
	[tilespmem:$0x11000] =	vst v63  }
0x1ce: {  	_ =	swait.ge [sflag:s16], $0x4000  }
0x1cf: {  	[sflag:s16] =	ssyncset.done $0x0  }
0x1d0: {  	s17 =	rddreg [dreg:$0x19];
	[sflag:s16] =	ssyncadd.s32 $0xFFFFC000  }
0x1d1: {  	[hbm4b:s17+s2] =	stream.linear.scatter [tilespmem:s14], [sflag:$0x7], $0x4000, $0x38;
	[tilespmem:$0x11000] =	vst v63  }
0x1d2: {  	_ =	swait.ge [sflag:s7], $0x4000  }
0x1d3: {  	[sflag:s7] =	ssyncset.done $0x0  }
0x1d4: {  	[sflag:s7] =	ssyncadd.s32 $0xFFFFC000  }
0x1d5: {  	[tilespmem:s5], [sflag:$0x1] =	stream.indirect.gather [hbm4b:s4+s6], $0x80, s19, s6, $0xb8;
	[tilespmem:$0x11000] =	vst v63  }
0x1d6: {  	_ =	swait.ge [sflag:s15], $0x4000  }
0x1d7: {  	[sflag:s15] =	ssyncset.done $0x0  }
0x1d8: {  	s17 =	rddreg [dreg:$0x1a];
	[sflag:s15] =	ssyncadd.s32 $0xFFFFC000  }
0x1d9: {  	[hbm4b:s17+s2] =	stream.linear.scatter [tilespmem:s11], [sflag:$0x8], $0x4000, $0x38;
	[tilespmem:$0x11000] =	vst v63  }
0x1da: {  	_ =	swait.ge [sflag:s8], $0x4000  }
0x1db: {  	[sflag:s8] =	ssyncset.done $0x0  }
0x1dc: {  	[sflag:s8] =	ssyncadd.s32 $0xFFFFC000  }
0x1dd: {  	[tilespmem:s3], [sflag:$0x2] =	stream.indirect.gather [hbm4b:s4+s6], $0x80, s18, s6, $0xb8;
	[tilespmem:$0x11000] =	vst v63  }
0x1de: {  	_ =	swait.ge [sflag:s10], $0x4000  }
0x1df: {  	[sflag:s10] =	ssyncset.done $0x0  }
0x1e0: {  	s17 =	rddreg [dreg:$0x1b];
	[sflag:s10] =	ssyncadd.s32 $0xFFFFC000  }
0x1e1: {  	[hbm4b:s17+s2] =	stream.linear.scatter [tilespmem:s5], [sflag:$0x5], $0x4000, $0x38;
	[tilespmem:$0x11000] =	vst v63  }
0x1e2: {  	_ =	swait.ge [sflag:s9], $0x4000  }
0x1e3: {  	[sflag:s9] =	ssyncset.done $0x0  }
0x1e4: {  	s17 =	rddreg [dreg:$0x1c];
	[sflag:s9] =	ssyncadd.s32 $0xFFFFC000  }
0x1e5: {  	[hbm4b:s17+s2] =	stream.linear.scatter [tilespmem:s3], [sflag:$0x6], $0x4000, $0x38;
	[tilespmem:$0x11000] =	vst v63  }
0x1e6: {  	_ =	swait.ge [sflag:s12], $0x4000  }
0x1e7: {  	[sflag:s12] =	ssyncset.done $0x0  }
0x1e8: {  	[sflag:s12] =	ssyncadd.s32 $0xFFFFC000  }
0x1e9: {  	_ =	swait.ge [sflag:s13], $0x4000  }
0x1ea: {  	[sflag:s13] =	ssyncset.done $0x0  }
0x1eb: {  	p1 =	sne.s32 s1, $0x1;
	[sflag:s13] =	ssyncadd.s32 $0xFFFFC000  }
.Ltmp2:
0x1ec: {  	_ =	swait.ge [sflag:s7], $0x4000;
	(pc) =	sbr.rel @p1 .LBB2_4-.Ltmp2, $4  }
0x1ed: {  	[sflag:s7] =	ssyncset.done $0x0  }
0x1ee: {  	[sflag:s7] =	ssyncadd.s32 $0xFFFFC000  }
0x1ef: {  	_ =	swait.ge [sflag:s8], $0x4000  }
0x1f0: {  	s1 =	sadd.s32 $0xFFFFFFFF, s1;
	s0 =	rddreg [dreg:$0x3];
	[sflag:s8] =	ssyncset.done $0x0  }
0x1f1: {  	s18 =	simm.s32 $0x700;
	s29 =	simm.s32 $0x780;
	s28 =	simm.s32 $0x800  }
0x1f2: {  	s26 =	simm.s32 $0x880;
	s25 =	simm.s32 $0x900;
	s24 =	simm.s32 $0x980  }
0x1f3: {  	s23 =	simm.s32 $0xA00;
	s22 =	simm.s32 $0xA80;
	s21 =	simm.s32 $0xB00  }
0x1f4: {  	s20 =	simm.s32 $0xB80;
	s19 =	simm.s32 $0xC00;
	s17 =	stileid.u32  }
.LBB2_6:
0x1f5: {  	[sflag:s8] =	ssyncadd.s32 @p0 $0xFFFFC000  }
0x1f6: {  	[tilespmem:s2], [sflag:$0x9] =	stream.linear.gather [hbm4b:s0+s2], $0xD00, $0x38;
	[tilespmem:$0x11000] =	vst v63  }
0x1f7: {  	_ =	swait.ge [sflag:s31], $0xD00  }
0x1f8: {  	[sflag:s31] =	ssyncset.done $0x0  }
0x1f9: {  	[sflag:s31] =	ssyncadd.s32 $0xFFFFF300  }
0x1fa: {  	[tilespmem:s5], [sflag:$0x1] =	stream.indirect.gather [hbm4b:s4+s6], $0x80, s2, s6, $0xb8;
	[tilespmem:$0x11000] =	vst v63  }
0x1fb: {  	_ = 	snop  }
0x1fc: {  	[tilespmem:s3], [sflag:$0x2] =	stream.indirect.gather [hbm4b:s4+s6], $0x80, s6, s6, $0xb8;
	[tilespmem:$0x11000] =	vst v63  }
0x1fd: {  	s31 =	rddreg [dreg:$0x1d]  }
0x1fe: {  	[tilespmem:s14], [sflag:$0x3] =	stream.indirect.gather [hbm4b:s4+s6], $0x80, s31, s6, $0xb8;
	[tilespmem:$0x11000] =	vst v63  }
0x1ff: {  	s1 =	rddreg [dreg:$0x1e]  }
0x200: {  	[tilespmem:s11], [sflag:$0x4] =	stream.indirect.gather [hbm4b:s4+s6], $0x80, s1, s6, $0xb8;
	[tilespmem:$0x11000] =	vst v63  }
0x201: {  	_ =	swait.ge [sflag:s10], $0x4000  }
0x202: {  	[sflag:s10] =	ssyncset.done $0x0  }
0x203: {  	[sflag:s10] =	ssyncadd.s32 $0xFFFFC000  }
0x204: {  	[hbm4b:s30+s2] =	stream.linear.scatter [tilespmem:s5], [sflag:$0x5], $0x4000, $0x38;
	[tilespmem:$0x11000] =	vst v63  }
0x205: {  	_ =	swait.ge [sflag:s9], $0x4000  }
0x206: {  	[sflag:s9] =	ssyncset.done $0x0  }
0x207: {  	s1 =	rddreg [dreg:$0x4];
	[sflag:s9] =	ssyncadd.s32 $0xFFFFC000  }
0x208: {  	[hbm4b:s1+s2] =	stream.linear.scatter [tilespmem:s3], [sflag:$0x6], $0x4000, $0x38;
	[tilespmem:$0x11000] =	vst v63  }
0x209: {  	_ =	swait.ge [sflag:s16], $0x4000  }
0x20a: {  	[sflag:s16] =	ssyncset.done $0x0  }
0x20b: {  	s30 =	rddreg [dreg:$0x5];
	[sflag:s16] =	ssyncadd.s32 $0xFFFFC000  }
0x20c: {  	[hbm4b:s30+s2] =	stream.linear.scatter [tilespmem:s14], [sflag:$0x7], $0x4000, $0x38;
	[tilespmem:$0x11000] =	vst v63  }
0x20d: {  	_ =	swait.ge [sflag:s7], $0x4000  }
0x20e: {  	[sflag:s7] =	ssyncset.done $0x0  }
0x20f: {  	s31 =	rddreg [dreg:$0x1f];
	[sflag:s7] =	ssyncadd.s32 $0xFFFFC000  }
0x210: {  	[tilespmem:s5], [sflag:$0x1] =	stream.indirect.gather [hbm4b:s4+s6], $0x80, s31, s6, $0xb8;
	[tilespmem:$0x11000] =	vst v63  }
0x211: {  	_ =	swait.ge [sflag:s15], $0x4000  }
0x212: {  	[sflag:s15] =	ssyncset.done $0x0  }
0x213: {  	s1 =	rddreg [dreg:$0x6];
	[sflag:s15] =	ssyncadd.s32 $0xFFFFC000  }
0x214: {  	[hbm4b:s1+s2] =	stream.linear.scatter [tilespmem:s11], [sflag:$0x8], $0x4000, $0x38;
	[tilespmem:$0x11000] =	vst v63  }
0x215: {  	_ =	swait.ge [sflag:s8], $0x4000  }
0x216: {  	s30 =	sld [smem:$0x7F5]  }
0x217: {  	[sflag:s8] =	ssyncset.done $0x0  }
0x218: {  	[sflag:s8] =	ssyncadd.s32 $0xFFFFC000  }
0x219: {  	[tilespmem:s3], [sflag:$0x2] =	stream.indirect.gather [hbm4b:s4+s6], $0x80, s30, s6, $0xb8;
	[tilespmem:$0x11000] =	vst v63  }
0x21a: {  	_ =	swait.ge [sflag:s10], $0x4000  }
0x21b: {  	[sflag:s10] =	ssyncset.done $0x0  }
0x21c: {  	s31 =	rddreg [dreg:$0x7];
	[sflag:s10] =	ssyncadd.s32 $0xFFFFC000  }
0x21d: {  	[hbm4b:s31+s2] =	stream.linear.scatter [tilespmem:s5], [sflag:$0x5], $0x4000, $0x38;
	[tilespmem:$0x11000] =	vst v63  }
0x21e: {  	_ =	swait.ge [sflag:s12], $0x4000  }
0x21f: {  	s1 =	sld [smem:$0x7F6]  }
0x220: {  	[sflag:s12] =	ssyncset.done $0x0  }
0x221: {  	[sflag:s12] =	ssyncadd.s32 $0xFFFFC000  }
0x222: {  	[tilespmem:s14], [sflag:$0x3] =	stream.indirect.gather [hbm4b:s4+s6], $0x80, s1, s6, $0xb8;
	[tilespmem:$0x11000] =	vst v63  }
0x223: {  	_ =	swait.ge [sflag:s9], $0x4000  }
0x224: {  	[sflag:s9] =	ssyncset.done $0x0  }
0x225: {  	s30 =	rddreg [dreg:$0x8];
	[sflag:s9] =	ssyncadd.s32 $0xFFFFC000  }
0x226: {  	[hbm4b:s30+s2] =	stream.linear.scatter [tilespmem:s3], [sflag:$0x6], $0x4000, $0x38;
	[tilespmem:$0x11000] =	vst v63  }
0x227: {  	_ =	swait.ge [sflag:s13], $0x4000  }
0x228: {  	s31 =	sld [smem:$0x7F7]  }
0x229: {  	[sflag:s13] =	ssyncset.done $0x0  }
0x22a: {  	[sflag:s13] =	ssyncadd.s32 $0xFFFFC000  }
0x22b: {  	[tilespmem:s11], [sflag:$0x4] =	stream.indirect.gather [hbm4b:s4+s6], $0x80, s31, s6, $0xb8;
	[tilespmem:$0x11000] =	vst v63  }
0x22c: {  	_ =	swait.ge [sflag:s16], $0x4000  }
0x22d: {  	[sflag:s16] =	ssyncset.done $0x0  }
0x22e: {  	s1 =	rddreg [dreg:$0x9];
	[sflag:s16] =	ssyncadd.s32 $0xFFFFC000  }
0x22f: {  	[hbm4b:s1+s2] =	stream.linear.scatter [tilespmem:s14], [sflag:$0x7], $0x4000, $0x38;
	[tilespmem:$0x11000] =	vst v63  }
0x230: {  	_ =	swait.ge [sflag:s7], $0x4000  }
0x231: {  	s30 =	sld [smem:$0x7F8]  }
0x232: {  	[sflag:s7] =	ssyncset.done $0x0  }
0x233: {  	[sflag:s7] =	ssyncadd.s32 $0xFFFFC000  }
0x234: {  	[tilespmem:s5], [sflag:$0x1] =	stream.indirect.gather [hbm4b:s4+s6], $0x80, s30, s6, $0xb8;
	[tilespmem:$0x11000] =	vst v63  }
0x235: {  	_ =	swait.ge [sflag:s15], $0x4000  }
0x236: {  	[sflag:s15] =	ssyncset.done $0x0  }
0x237: {  	s31 =	rddreg [dreg:$0xa];
	[sflag:s15] =	ssyncadd.s32 $0xFFFFC000  }
0x238: {  	[hbm4b:s31+s2] =	stream.linear.scatter [tilespmem:s11], [sflag:$0x8], $0x4000, $0x38;
	[tilespmem:$0x11000] =	vst v63  }
0x239: {  	_ =	swait.ge [sflag:s8], $0x4000  }
0x23a: {  	s1 =	sld [smem:$0x7F9]  }
0x23b: {  	[sflag:s8] =	ssyncset.done $0x0  }
0x23c: {  	[sflag:s8] =	ssyncadd.s32 $0xFFFFC000  }
0x23d: {  	[tilespmem:s3], [sflag:$0x2] =	stream.indirect.gather [hbm4b:s4+s6], $0x80, s1, s6, $0xb8;
	[tilespmem:$0x11000] =	vst v63  }
0x23e: {  	_ =	swait.ge [sflag:s10], $0x4000  }
0x23f: {  	[sflag:s10] =	ssyncset.done $0x0  }
0x240: {  	s30 =	rddreg [dreg:$0xb];
	[sflag:s10] =	ssyncadd.s32 $0xFFFFC000  }
0x241: {  	[hbm4b:s30+s2] =	stream.linear.scatter [tilespmem:s5], [sflag:$0x5], $0x4000, $0x38;
	[tilespmem:$0x11000] =	vst v63  }
0x242: {  	_ =	swait.ge [sflag:s12], $0x4000  }
0x243: {  	s31 =	sld [smem:$0x7FA]  }
0x244: {  	[sflag:s12] =	ssyncset.done $0x0  }
0x245: {  	[sflag:s12] =	ssyncadd.s32 $0xFFFFC000  }
0x246: {  	[tilespmem:s14], [sflag:$0x3] =	stream.indirect.gather [hbm4b:s4+s6], $0x80, s31, s6, $0xb8;
	[tilespmem:$0x11000] =	vst v63  }
0x247: {  	_ =	swait.ge [sflag:s9], $0x4000  }
0x248: {  	[sflag:s9] =	ssyncset.done $0x0  }
0x249: {  	s1 =	rddreg [dreg:$0xc];
	[sflag:s9] =	ssyncadd.s32 $0xFFFFC000  }
0x24a: {  	[hbm4b:s1+s2] =	stream.linear.scatter [tilespmem:s3], [sflag:$0x6], $0x4000, $0x38;
	[tilespmem:$0x11000] =	vst v63  }
0x24b: {  	_ =	swait.ge [sflag:s13], $0x4000  }
0x24c: {  	s30 =	sld [smem:$0x7FB]  }
0x24d: {  	[sflag:s13] =	ssyncset.done $0x0  }
0x24e: {  	[sflag:s13] =	ssyncadd.s32 $0xFFFFC000  }
0x24f: {  	[tilespmem:s11], [sflag:$0x4] =	stream.indirect.gather [hbm4b:s4+s6], $0x80, s30, s6, $0xb8;
	[tilespmem:$0x11000] =	vst v63  }
0x250: {  	_ =	swait.ge [sflag:s16], $0x4000  }
0x251: {  	[sflag:s16] =	ssyncset.done $0x0  }
0x252: {  	s31 =	rddreg [dreg:$0xd];
	[sflag:s16] =	ssyncadd.s32 $0xFFFFC000  }
0x253: {  	[hbm4b:s31+s2] =	stream.linear.scatter [tilespmem:s14], [sflag:$0x7], $0x4000, $0x38;
	[tilespmem:$0x11000] =	vst v63  }
0x254: {  	_ =	swait.ge [sflag:s7], $0x4000  }
0x255: {  	s1 =	sld [smem:$0x7FC]  }
0x256: {  	[sflag:s7] =	ssyncset.done $0x0  }
0x257: {  	[sflag:s7] =	ssyncadd.s32 $0xFFFFC000  }
0x258: {  	[tilespmem:s5], [sflag:$0x1] =	stream.indirect.gather [hbm4b:s4+s6], $0x80, s1, s6, $0xb8;
	[tilespmem:$0x11000] =	vst v63  }
0x259: {  	_ =	swait.ge [sflag:s15], $0x4000  }
0x25a: {  	[sflag:s15] =	ssyncset.done $0x0  }
0x25b: {  	s30 =	rddreg [dreg:$0xe];
	[sflag:s15] =	ssyncadd.s32 $0xFFFFC000  }
0x25c: {  	[hbm4b:s30+s2] =	stream.linear.scatter [tilespmem:s11], [sflag:$0x8], $0x4000, $0x38;
	[tilespmem:$0x11000] =	vst v63  }
0x25d: {  	_ =	swait.ge [sflag:s8], $0x4000  }
0x25e: {  	s31 =	sld [smem:$0x7FD]  }
0x25f: {  	[sflag:s8] =	ssyncset.done $0x0  }
0x260: {  	[sflag:s8] =	ssyncadd.s32 $0xFFFFC000  }
0x261: {  	[tilespmem:s3], [sflag:$0x2] =	stream.indirect.gather [hbm4b:s4+s6], $0x80, s31, s6, $0xb8;
	[tilespmem:$0x11000] =	vst v63  }
0x262: {  	_ =	swait.ge [sflag:s10], $0x4000  }
0x263: {  	[sflag:s10] =	ssyncset.done $0x0  }
0x264: {  	s1 =	rddreg [dreg:$0xf];
	[sflag:s10] =	ssyncadd.s32 $0xFFFFC000  }
0x265: {  	[hbm4b:s1+s2] =	stream.linear.scatter [tilespmem:s5], [sflag:$0x5], $0x4000, $0x38;
	[tilespmem:$0x11000] =	vst v63  }
0x266: {  	_ =	swait.ge [sflag:s12], $0x4000  }
0x267: {  	[sflag:s12] =	ssyncset.done $0x0  }
0x268: {  	[sflag:s12] =	ssyncadd.s32 $0xFFFFC000  }
0x269: {  	[tilespmem:s14], [sflag:$0x3] =	stream.indirect.gather [hbm4b:s4+s6], $0x80, s18, s6, $0xb8;
	[tilespmem:$0x11000] =	vst v63  }
0x26a: {  	_ =	swait.ge [sflag:s9], $0x4000  }
0x26b: {  	[sflag:s9] =	ssyncset.done $0x0  }
0x26c: {  	s18 =	rddreg [dreg:$0x10];
	[sflag:s9] =	ssyncadd.s32 $0xFFFFC000  }
0x26d: {  	[hbm4b:s18+s2] =	stream.linear.scatter [tilespmem:s3], [sflag:$0x6], $0x4000, $0x38;
	[tilespmem:$0x11000] =	vst v63  }
0x26e: {  	_ =	swait.ge [sflag:s13], $0x4000  }
0x26f: {  	[sflag:s13] =	ssyncset.done $0x0  }
0x270: {  	[sflag:s13] =	ssyncadd.s32 $0xFFFFC000  }
0x271: {  	[tilespmem:s11], [sflag:$0x4] =	stream.indirect.gather [hbm4b:s4+s6], $0x80, s29, s6, $0xb8;
	[tilespmem:$0x11000] =	vst v63  }
0x272: {  	_ =	swait.ge [sflag:s16], $0x4000  }
0x273: {  	[sflag:s16] =	ssyncset.done $0x0  }
0x274: {  	s29 =	rddreg [dreg:$0x11];
	[sflag:s16] =	ssyncadd.s32 $0xFFFFC000  }
0x275: {  	[hbm4b:s29+s2] =	stream.linear.scatter [tilespmem:s14], [sflag:$0x7], $0x4000, $0x38;
	[tilespmem:$0x11000] =	vst v63  }
0x276: {  	_ =	swait.ge [sflag:s7], $0x4000  }
0x277: {  	[sflag:s7] =	ssyncset.done $0x0  }
0x278: {  	[sflag:s7] =	ssyncadd.s32 $0xFFFFC000  }
0x279: {  	[tilespmem:s5], [sflag:$0x1] =	stream.indirect.gather [hbm4b:s4+s6], $0x80, s28, s6, $0xb8;
	[tilespmem:$0x11000] =	vst v63  }
0x27a: {  	_ =	swait.ge [sflag:s15], $0x4000  }
0x27b: {  	[sflag:s15] =	ssyncset.done $0x0  }
0x27c: {  	s30 =	rddreg [dreg:$0x12];
	[sflag:s15] =	ssyncadd.s32 $0xFFFFC000  }
0x27d: {  	[hbm4b:s30+s2] =	stream.linear.scatter [tilespmem:s11], [sflag:$0x8], $0x4000, $0x38;
	[tilespmem:$0x11000] =	vst v63  }
0x27e: {  	_ =	swait.ge [sflag:s8], $0x4000  }
0x27f: {  	[sflag:s8] =	ssyncset.done $0x0  }
0x280: {  	[sflag:s8] =	ssyncadd.s32 $0xFFFFC000  }
0x281: {  	[tilespmem:s3], [sflag:$0x2] =	stream.indirect.gather [hbm4b:s4+s6], $0x80, s26, s6, $0xb8;
	[tilespmem:$0x11000] =	vst v63  }
0x282: {  	_ =	swait.ge [sflag:s10], $0x4000  }
0x283: {  	[sflag:s10] =	ssyncset.done $0x0  }
0x284: {  	s31 =	rddreg [dreg:$0x13];
	[sflag:s10] =	ssyncadd.s32 $0xFFFFC000  }
0x285: {  	[hbm4b:s31+s2] =	stream.linear.scatter [tilespmem:s5], [sflag:$0x5], $0x4000, $0x38;
	[tilespmem:$0x11000] =	vst v63  }
0x286: {  	_ =	swait.ge [sflag:s12], $0x4000  }
0x287: {  	[sflag:s12] =	ssyncset.done $0x0  }
0x288: {  	[sflag:s12] =	ssyncadd.s32 $0xFFFFC000  }
0x289: {  	[tilespmem:s14], [sflag:$0x3] =	stream.indirect.gather [hbm4b:s4+s6], $0x80, s25, s6, $0xb8;
	[tilespmem:$0x11000] =	vst v63  }
0x28a: {  	_ =	swait.ge [sflag:s9], $0x4000  }
0x28b: {  	[sflag:s9] =	ssyncset.done $0x0  }
0x28c: {  	s1 =	rddreg [dreg:$0x14];
	[sflag:s9] =	ssyncadd.s32 $0xFFFFC000  }
0x28d: {  	[hbm4b:s1+s2] =	stream.linear.scatter [tilespmem:s3], [sflag:$0x6], $0x4000, $0x38;
	[tilespmem:$0x11000] =	vst v63  }
0x28e: {  	_ =	swait.ge [sflag:s13], $0x4000  }
0x28f: {  	[sflag:s13] =	ssyncset.done $0x0  }
0x290: {  	[sflag:s13] =	ssyncadd.s32 $0xFFFFC000  }
0x291: {  	[tilespmem:s11], [sflag:$0x4] =	stream.indirect.gather [hbm4b:s4+s6], $0x80, s24, s6, $0xb8;
	[tilespmem:$0x11000] =	vst v63  }
0x292: {  	_ =	swait.ge [sflag:s16], $0x4000  }
0x293: {  	[sflag:s16] =	ssyncset.done $0x0  }
0x294: {  	s18 =	rddreg [dreg:$0x15];
	[sflag:s16] =	ssyncadd.s32 $0xFFFFC000  }
0x295: {  	[hbm4b:s18+s2] =	stream.linear.scatter [tilespmem:s14], [sflag:$0x7], $0x4000, $0x38;
	[tilespmem:$0x11000] =	vst v63  }
0x296: {  	_ =	swait.ge [sflag:s7], $0x4000  }
0x297: {  	[sflag:s7] =	ssyncset.done $0x0  }
0x298: {  	[sflag:s7] =	ssyncadd.s32 $0xFFFFC000  }
0x299: {  	[tilespmem:s5], [sflag:$0x1] =	stream.indirect.gather [hbm4b:s4+s6], $0x80, s23, s6, $0xb8;
	[tilespmem:$0x11000] =	vst v63  }
0x29a: {  	_ =	swait.ge [sflag:s15], $0x4000  }
0x29b: {  	[sflag:s15] =	ssyncset.done $0x0  }
0x29c: {  	s23 =	rddreg [dreg:$0x16];
	[sflag:s15] =	ssyncadd.s32 $0xFFFFC000  }
0x29d: {  	[hbm4b:s23+s2] =	stream.linear.scatter [tilespmem:s11], [sflag:$0x8], $0x4000, $0x38;
	[tilespmem:$0x11000] =	vst v63  }
0x29e: {  	_ =	swait.ge [sflag:s8], $0x4000  }
0x29f: {  	[sflag:s8] =	ssyncset.done $0x0  }
0x2a0: {  	[sflag:s8] =	ssyncadd.s32 $0xFFFFC000  }
0x2a1: {  	[tilespmem:s3], [sflag:$0x2] =	stream.indirect.gather [hbm4b:s4+s6], $0x80, s22, s6, $0xb8;
	[tilespmem:$0x11000] =	vst v63  }
0x2a2: {  	_ =	swait.ge [sflag:s10], $0x4000  }
0x2a3: {  	[sflag:s10] =	ssyncset.done $0x0  }
0x2a4: {  	s24 =	rddreg [dreg:$0x17];
	[sflag:s10] =	ssyncadd.s32 $0xFFFFC000  }
0x2a5: {  	[hbm4b:s24+s2] =	stream.linear.scatter [tilespmem:s5], [sflag:$0x5], $0x4000, $0x38;
	[tilespmem:$0x11000] =	vst v63  }
0x2a6: {  	_ =	swait.ge [sflag:s12], $0x4000  }
0x2a7: {  	[sflag:s12] =	ssyncset.done $0x0  }
0x2a8: {  	[sflag:s12] =	ssyncadd.s32 $0xFFFFC000  }
0x2a9: {  	[tilespmem:s14], [sflag:$0x3] =	stream.indirect.gather [hbm4b:s4+s6], $0x80, s21, s6, $0xb8;
	[tilespmem:$0x11000] =	vst v63  }
0x2aa: {  	_ =	swait.ge [sflag:s9], $0x4000  }
0x2ab: {  	[sflag:s9] =	ssyncset.done $0x0  }
0x2ac: {  	s25 =	rddreg [dreg:$0x18];
	[sflag:s9] =	ssyncadd.s32 $0xFFFFC000  }
0x2ad: {  	[hbm4b:s25+s2] =	stream.linear.scatter [tilespmem:s3], [sflag:$0x6], $0x4000, $0x38;
	[tilespmem:$0x11000] =	vst v63  }
0x2ae: {  	_ =	swait.ge [sflag:s13], $0x4000  }
0x2af: {  	[sflag:s13] =	ssyncset.done $0x0  }
0x2b0: {  	[sflag:s13] =	ssyncadd.s32 $0xFFFFC000  }
0x2b1: {  	[tilespmem:s11], [sflag:$0x4] =	stream.indirect.gather [hbm4b:s4+s6], $0x80, s20, s6, $0xb8;
	[tilespmem:$0x11000] =	vst v63  }
0x2b2: {  	_ =	swait.ge [sflag:s16], $0x4000  }
0x2b3: {  	[sflag:s16] =	ssyncset.done $0x0  }
0x2b4: {  	s26 =	rddreg [dreg:$0x19];
	[sflag:s16] =	ssyncadd.s32 $0xFFFFC000  }
0x2b5: {  	[hbm4b:s26+s2] =	stream.linear.scatter [tilespmem:s14], [sflag:$0x7], $0x4000, $0x38;
	[tilespmem:$0x11000] =	vst v63  }
0x2b6: {  	_ =	swait.ge [sflag:s7], $0x4000  }
0x2b7: {  	[sflag:s7] =	ssyncset.done $0x0  }
0x2b8: {  	[sflag:s7] =	ssyncadd.s32 $0xFFFFC000  }
0x2b9: {  	[tilespmem:s5], [sflag:$0x1] =	stream.indirect.gather [hbm4b:s4+s6], $0x80, s19, s6, $0xb8;
	[tilespmem:$0x11000] =	vst v63  }
0x2ba: {  	_ =	swait.ge [sflag:s15], $0x4000  }
0x2bb: {  	[sflag:s15] =	ssyncset.done $0x0  }
0x2bc: {  	s28 =	rddreg [dreg:$0x1a];
	[sflag:s15] =	ssyncadd.s32 $0xFFFFC000  }
0x2bd: {  	[hbm4b:s28+s2] =	stream.linear.scatter [tilespmem:s11], [sflag:$0x8], $0x4000, $0x38;
	[tilespmem:$0x11000] =	vst v63  }
0x2be: {  	_ =	swait.ge [sflag:s8], $0x4000  }
0x2bf: {  	[sflag:s8] =	ssyncset.done $0x0  }
0x2c0: {  	s29 =	simm.s32 $0xC80;
	[sflag:s8] =	ssyncadd.s32 $0xFFFFC000  }
0x2c1: {  	[tilespmem:s3], [sflag:$0x2] =	stream.indirect.gather [hbm4b:s4+s6], $0x80, s29, s6, $0xb8;
	[tilespmem:$0x11000] =	vst v63  }
0x2c2: {  	_ =	swait.ge [sflag:s10], $0x4000  }
0x2c3: {  	[sflag:s10] =	ssyncset.done $0x0  }
0x2c4: {  	s30 =	rddreg [dreg:$0x1b];
	[sflag:s10] =	ssyncadd.s32 $0xFFFFC000  }
0x2c5: {  	[hbm4b:s30+s2] =	stream.linear.scatter [tilespmem:s5], [sflag:$0x5], $0x4000, $0x38;
	[tilespmem:$0x11000] =	vst v63  }
0x2c6: {  	_ =	swait.ge [sflag:s9], $0x4000  }
0x2c7: {  	[sflag:s9] =	ssyncset.done $0x0  }
0x2c8: {  	s31 =	rddreg [dreg:$0x1c];
	[sflag:s9] =	ssyncadd.s32 $0xFFFFC000  }
0x2c9: {  	[hbm4b:s31+s2] =	stream.linear.scatter [tilespmem:s3], [sflag:$0x6], $0x4000, $0x38;
	[tilespmem:$0x11000] =	vst v63  }
0x2ca: {  	_ =	swait.ge [sflag:s12], $0x4000  }
0x2cb: {  	[sflag:s12] =	ssyncset.done $0x0  }
0x2cc: {  	[sflag:s12] =	ssyncadd.s32 $0xFFFFC000  }
0x2cd: {  	_ =	swait.ge [sflag:s13], $0x4000  }
0x2ce: {  	[sflag:s13] =	ssyncset.done $0x0  }
0x2cf: {  	[sflag:s13] =	ssyncadd.s32 $0xFFFFC000  }
0x2d0: {  	_ =	swait.ge [sflag:s7], $0x4000  }
0x2d1: {  	[sflag:s7] =	ssyncset.done $0x0  }
0x2d2: {  	[sflag:s7] =	ssyncadd.s32 $0xFFFFC000  }
0x2d3: {  	_ =	swait.ge [sflag:s8], $0x4000  }
0x2d4: {  	[sflag:s8] =	ssyncset.done $0x0  }
0x2d5: {  	[sflag:s8] =	ssyncadd.s32 $0xFFFFC000  }
0x2d6: {  	_ =	sfence.sel $0x180000  }
0x2d7: {  	[bflag:$0x0] =	sbarrier.arrive $0xFFFF  }
0x2d8: {  	_ =	strace $0x90000047  }
0x2d9: {  	[bflag:$0x2] =	sbarrier.arrive $0xFFFF  }
0x2da: {  	p0 =	sne.s32 s17, $0x0;
	s0 =	rddreg [dreg:$0x2]  }
0x2db: {  	s0 =	sadd.s32 @!p0 $0x100000, s0  }
0x2dc: {  	[sflag:s0] =	ssyncadd.tile.s32 @!p0 $0x1;
	_ =	shalt  }
.LBB2_1:
.Ltmp3:
0x2dd: {  	(pc) =	sbr.rel .LBB2_6-.Ltmp3, $4  }
0x2de: {  	s18 =	simm.s32 $0x700;
	s29 =	simm.s32 $0x780  }
0x2df: {  	s28 =	simm.s32 $0x800;
	s26 =	simm.s32 $0x880;
	s25 =	simm.s32 $0x900  }
0x2e0: {  	s24 =	simm.s32 $0x980;
	s23 =	simm.s32 $0xA00;
	s22 =	simm.s32 $0xA80  }
0x2e1: {  	s21 =	simm.s32 $0xB00;
	s20 =	simm.s32 $0xB80;
	s19 =	simm.s32 $0xC00  }
.LBB2_3:
.Ltmp4:
0x2e2: {  	(pc) =	sbr.rel .LBB2_6-.Ltmp4, $4  }
0x2e3: {  	s18 =	simm.s32 $0x700;
	s29 =	simm.s32 $0x780;
	s28 =	simm.s32 $0x800  }
0x2e4: {  	s26 =	simm.s32 $0x880;
	s25 =	simm.s32 $0x900;
	s24 =	simm.s32 $0x980  }
0x2e5: {  	s23 =	simm.s32 $0xA00;
	s22 =	simm.s32 $0xA80;
	s21 =	simm.s32 $0xB00  }
0x2e6: {  	s20 =	simm.s32 $0xB80;
	s19 =	simm.s32 $0xC00;
	s17 =	stileid.u32  }
.Lfunc_end2:
_tile_overlayer_lowered:
.L_overlay_start_2:
0x2e7: {  	(tag) =	ssettag $0x2  }
0x2e8: {  	s0 =	rddreg [dreg:$0x0];
	s2 =	stileid.u32  }
0x2e9: {  	s1 =	rddreg [dreg:$0x1];
	p0 =	sne.s32 s2, $0x0  }
0x2ea: {  	s3 =	rddreg [dreg:$0x2];
	[bflag:$0x3] =	sbarrier.arrive $0xFFFF;
	s2 =	simm.s32 @!p0 $0x1C09  }
0x2eb: {  	[timem:s3], [sflag:s2] =	dma.local @!p0 [hbm:s0], s1  }
0x2ec: {  	s0 =	simm.s32 @!p0 $0x9  }
0x2ed: {  	_ =	swait.ge @!p0 [sflag:s0], s1  }
0x2ee: {  	s1 =	ssub.s32 @!p0 $0x0, s1;
	[sflag:s0] =	ssyncset.done @!p0 $0x0  }
0x2ef: {  	[sflag:s0] =	ssyncadd.s32 @!p0 s1  }
0x2f0: {  	[bflag:$0x3] =	sbarrier.arrive $0xFFFF  }
0x2f1: {  	_ =	shalt  }

</sc_bundles>
